<compile_context>
chip_gen: v7x
topology: tpu7x:2x2x1
jax: 0.10.2.dev20260603
libtpu: 0.0.44.dev20260713+nightly
codegen_flags: <defaults>
</compile_context>

<pallas_src>
import functools

import jax
import jax.numpy as jnp
from jax import lax
from jax.experimental import pallas as pl
from jax.experimental.pallas import tpu as pltpu
from jax.experimental.pallas import tpu_sc as plsc

_ALPHA = 0.7
_L = 16
_NC = 2
_NS = 16
_NW = _NC * _NS
_CB = 128
_CH = 256
_NQ = _CB // _L
_SC_B = 32


def _cmp_desc(x, y):
    return jnp.maximum(x, y), jnp.minimum(x, y)


def _sort4(x0, x1, x2, x3):
    a, b = _cmp_desc(x0, x1)
    c, d = _cmp_desc(x2, x3)
    s1, t = _cmp_desc(a, c)
    u, s4 = _cmp_desc(b, d)
    s2, s3 = _cmp_desc(t, u)
    return s1, s2, s3, s4


def _merge_top(acc, s):
    a1, a2, a3 = acc
    s1, s2, s3 = s
    n1 = jnp.maximum(a1, s1)
    t1 = jnp.minimum(a1, s1)
    t2 = jnp.maximum(a2, s2)
    n2 = jnp.maximum(t1, t2)
    t3 = jnp.minimum(t1, t2)
    m = jnp.minimum(a2, s2)
    n = jnp.maximum(a3, s3)
    n3 = jnp.maximum(t3, jnp.maximum(m, n))
    return n1, n2, n3


def _merge_bot(acc, s):
    a1, a2, a3 = acc
    s1, s2, s3 = s
    n1 = jnp.minimum(a1, s1)
    t1 = jnp.maximum(a1, s1)
    t2 = jnp.minimum(a2, s2)
    n2 = jnp.minimum(t1, t2)
    t3 = jnp.maximum(t1, t2)
    m = jnp.maximum(a2, s2)
    n = jnp.minimum(a3, s3)
    n3 = jnp.minimum(t3, jnp.minimum(m, n))
    return n1, n2, n3


@functools.lru_cache(maxsize=None)
def _build_sc(b_sc, c, n):
    assert n % _CH == 0 and c % _CB == 0
    ncpb = n // _CH
    slabs = b_sc * (c // _CB)
    spw = -(-slabs // _NW)
    cpw = spw * ncpb
    spb = c // _CB
    out_per_w = spw * _CB
    rows = spw * _NW * _CB

    mesh = plsc.VectorSubcoreMesh(core_axis_name="c", subcore_axis_name="s")

    @functools.partial(
        pl.kernel,
        out_type=jax.ShapeDtypeStruct((rows,), jnp.float32),
        mesh=mesh,
        compiler_params=pltpu.CompilerParams(
            needs_layout_passes=False, use_tc_tiling_on_sc=True),
        scratch_types=[
            pltpu.VMEM((_CH, _CB), jnp.float32),
            pltpu.VMEM((_CH, _CB), jnp.float32),
            pltpu.VMEM((ncpb * _NQ * 6 * _L,), jnp.float32),
            pltpu.VMEM((out_per_w,), jnp.float32),
            pltpu.SemaphoreType.DMA,
            pltpu.SemaphoreType.DMA,
        ],
    )
    def sc_pool(y_hbm, out_hbm, buf0, buf1, res, out_v, sem0, sem1):
        wid = lax.axis_index("s") * _NC + lax.axis_index("c")

        neg = jnp.full((_L,), -jnp.inf, jnp.float32)
        pos = jnp.full((_L,), jnp.inf, jnp.float32)

        def src(ci):
            sg = wid * spw + ci // ncpb
            sg = jnp.minimum(sg, slabs - 1)
            chunk = ci % ncpb
            bi = sg // spb
            cb = sg % spb
            return y_hbm.at[pl.ds(bi * n + chunk * _CH, _CH),
                            pl.ds(cb * _CB, _CB)]

        def start(ci, buf, sem):
            pltpu.async_copy(src(ci), buf, sem)

        def wait(ci, buf, sem):
            pltpu.make_async_copy(src(ci), buf, sem).wait()

        def compute(buf, ci):
            chunk = ci % ncpb

            def qbody(q, _):
                cq = q * _L

                def sbody(i, cr):
                    s0 = i * 16
                    m1, m2, m3, p1, p2, p3, q1, q2, q3, r1, r2, r3 = cr
                    for k in (0, 8):
                        x0 = buf[s0 + k, pl.ds(cq, _L)]
                        x1 = buf[s0 + k + 1, pl.ds(cq, _L)]
                        x2 = buf[s0 + k + 2, pl.ds(cq, _L)]
                        x3 = buf[s0 + k + 3, pl.ds(cq, _L)]
                        s1, s2, s3, s4 = _sort4(x0, x1, x2, x3)
                        m1, m2, m3 = _merge_top((m1, m2, m3), (s1, s2, s3))
                        p1, p2, p3 = _merge_bot((p1, p2, p3), (s4, s3, s2))
                        y0 = buf[s0 + k + 4, pl.ds(cq, _L)]
                        y1 = buf[s0 + k + 5, pl.ds(cq, _L)]
                        y2 = buf[s0 + k + 6, pl.ds(cq, _L)]
                        y3 = buf[s0 + k + 7, pl.ds(cq, _L)]
                        t1, t2, t3, t4 = _sort4(y0, y1, y2, y3)
                        q1, q2, q3 = _merge_top((q1, q2, q3), (t1, t2, t3))
                        r1, r2, r3 = _merge_bot((r1, r2, r3), (t4, t3, t2))
                    return (m1, m2, m3, p1, p2, p3, q1, q2, q3, r1, r2, r3)

                cr = lax.fori_loop(
                    0, _CH // 16, sbody,
                    (neg, neg, neg, pos, pos, pos,
                     neg, neg, neg, pos, pos, pos))
                m1, m2, m3, p1, p2, p3, q1, q2, q3, r1, r2, r3 = cr
                m1, m2, m3 = _merge_top((m1, m2, m3), (q1, q2, q3))
                p1, p2, p3 = _merge_bot((p1, p2, p3), (r1, r2, r3))
                base = (chunk * _NQ + q) * (6 * _L)
                res[pl.ds(base, _L)] = m1
                res[pl.ds(base + _L, _L)] = m2
                res[pl.ds(base + 2 * _L, _L)] = m3
                res[pl.ds(base + 3 * _L, _L)] = p1
                res[pl.ds(base + 4 * _L, _L)] = p2
                res[pl.ds(base + 5 * _L, _L)] = p3
                return 0

            lax.fori_loop(0, _NQ, qbody, 0)

        def finish(ci):
            si = ci // ncpb

            def qbody(q, _):
                def tri(chunk, j):
                    base = (chunk * _NQ + q) * (6 * _L) + j * _L
                    return res[pl.ds(base, _L)]

                m = (tri(0, 0), tri(0, 1), tri(0, 2))
                p = (tri(0, 3), tri(0, 4), tri(0, 5))
                for chunk in range(1, ncpb):
                    m = _merge_top(m, (tri(chunk, 0), tri(chunk, 1),
                                       tri(chunk, 2)))
                    p = _merge_bot(p, (tri(chunk, 3), tri(chunk, 4),
                                       tri(chunk, 5)))
                top = (m[0] + m[1] + m[2]) / 3.0
                bot = (p[0] + p[1] + p[2]) * (_ALPHA / 3.0)
                out_v[pl.ds(si * _CB + q * _L, _L)] = (top + bot) * 0.5
                return 0

            lax.fori_loop(0, _NQ, qbody, 0)

        start(0, buf0, sem0)

        def pair(i, carry):
            c0 = 2 * i
            start(c0 + 1, buf1, sem1)
            wait(c0, buf0, sem0)
            compute(buf0, c0)

            @pl.when(c0 % ncpb == ncpb - 1)
            def _():
                finish(c0)

            @pl.when(c0 + 2 < cpw)
            def _():
                start(c0 + 2, buf0, sem0)

            wait(c0 + 1, buf1, sem1)
            compute(buf1, c0 + 1)

            @pl.when((c0 + 1) % ncpb == ncpb - 1)
            def _():
                finish(c0 + 1)

            return carry

        lax.fori_loop(0, cpw // 2, pair, 0)
        pltpu.sync_copy(out_v, out_hbm.at[pl.ds(wid * out_per_w, out_per_w)])

    return sc_pool


@functools.lru_cache(maxsize=None)
def _build_tc(b0, nb, c, n):
    assert n % 32 == 0 and c % _CB == 0

    def tc_pool(x_ref, o_ref):
        neg = jnp.full((8, c), -jnp.inf, jnp.float32)
        pos = jnp.full((8, c), jnp.inf, jnp.float32)

        def quad(s0):
            x0 = x_ref[pl.ds(s0, 8), :]
            x1 = x_ref[pl.ds(s0 + 8, 8), :]
            x2 = x_ref[pl.ds(s0 + 16, 8), :]
            x3 = x_ref[pl.ds(s0 + 24, 8), :]
            return _sort4(x0, x1, x2, x3)

        def body(i, cr):
            s0 = pl.multiple_of(i * 128, 128)
            ms = list(cr[:12])
            ps = list(cr[12:])
            for k in range(4):
                s1, s2, s3, s4 = quad(s0 + 32 * k)
                ms[3 * k:3 * k + 3] = _merge_top(
                    tuple(ms[3 * k:3 * k + 3]), (s1, s2, s3))
                ps[3 * k:3 * k + 3] = _merge_bot(
                    tuple(ps[3 * k:3 * k + 3]), (s4, s3, s2))
            return tuple(ms) + tuple(ps)

        cr = lax.fori_loop(
            0, n // 128, body, (neg,) * 12 + (pos,) * 12)
        ms, ps = cr[:12], cr[12:]
        m = tuple(ms[0:3])
        p = tuple(ps[0:3])
        for k in range(1, 4):
            m = _merge_top(m, tuple(ms[3 * k:3 * k + 3]))
            p = _merge_bot(p, tuple(ps[3 * k:3 * k + 3]))
        for k in (4, 2, 1):
            m = _merge_top(tuple(v[0:k] for v in m),
                           tuple(v[k:2 * k] for v in m))
            p = _merge_bot(tuple(v[0:k] for v in p),
                           tuple(v[k:2 * k] for v in p))
        top = (m[0] + m[1] + m[2]) / 3.0
        bot = (p[0] + p[1] + p[2]) * (_ALPHA / 3.0)
        o_ref[...] = ((top + bot) * 0.5).reshape(1, 1, c)

    return pl.pallas_call(
        tc_pool,
        grid=(nb,),
        in_specs=[pl.BlockSpec((n, c), lambda i: (b0 + i, 0))],
        out_specs=pl.BlockSpec((1, 1, c), lambda i: (i, 0, 0)),
        out_shape=jax.ShapeDtypeStruct((nb, 1, c), jnp.float32),
    )


def kernel(input):
    b, c, h, w = input.shape
    n = h * w
    y = input.transpose(0, 2, 3, 1).reshape(b * n, c)
    sc_out = _build_sc(_SC_B, c, n)(y)[:_SC_B * c]
    tc_out = _build_tc(_SC_B, b - _SC_B, c, n)(y)
    out = jnp.concatenate([sc_out, tc_out.reshape((b - _SC_B) * c)])
    return out.reshape(b, c)

# --- scband reference (transcript-rebuilt; emitter-appended) ---
"""Pipeline reference for scband-wildcat-pool2d-10153302687839 (READ-ONLY COPY).

The authoritative reference and input builder live on the scoring server;
editing this copy changes nothing except your own understanding.
"""

import jax, jax.numpy as jnp
import numpy as np

KMAX = 3
KMIN = 3
ALPHA = 0.7

def setup_inputs(seed: int = 0) -> dict:
    key = jax.random.key(seed)
    x = jax.random.normal(key, (64, 768, 32, 32), dtype=jnp.float32)
    return {"input": x}

def _resolve_k(k, n):
    if k <= 0:
        return 0
    elif k < 1:
        return int(round(k * n))
    elif k > n:
        return int(n)
    else:
        return int(k)

def reference(input):
    b, c, h, w = input.shape
    n = h * w
    kmax = _resolve_k(KMAX, n)
    kmin = _resolve_k(KMIN, n)
    x = input.reshape(b, c, n)
    sorted_desc = jnp.flip(jnp.sort(x, axis=2), axis=2)
    output = jnp.sum(sorted_desc[:, :, :kmax], axis=2) / kmax
    if kmin > 0 and ALPHA != 0:
        bottom = jnp.sum(sorted_desc[:, :, n - kmin:], axis=2) * (ALPHA / kmin)
        output = (output + bottom) / 2.0
    return output

if __name__ == "__main__":
    import jax
    _d = setup_inputs()
    print(jax.jit(kernel)(*tuple(_d.values())))

</pallas_src>

<mosaic_0001>
#map = affine_map<(d0, d1) -> (0, 0)>
#map1 = affine_map<(d0, d1) -> (0)>
module attributes {stable_mosaic.version = 14 : i64} {
  func.func @sc_pool(%arg0: i32, %arg1: i32, %arg2: memref<65536x768xf32, #tpu.memory_space<hbm>>, %arg3: memref<24576xf32, #tpu.memory_space<hbm>>, %arg4: memref<256x128xf32, #tpu.memory_space<vmem>>, %arg5: memref<256x128xf32, #tpu.memory_space<vmem>>, %arg6: memref<3072xf32, #tpu.memory_space<vmem>>, %arg7: memref<768xf32, #tpu.memory_space<vmem>>, %arg8: memref<!tpu.dma_semaphore, #tpu.memory_space<semaphore_mem>>, %arg9: memref<!tpu.dma_semaphore, #tpu.memory_space<semaphore_mem>>) attributes {dimension_semantics = [#tpu.dimension_semantics<core_parallel>, #tpu.dimension_semantics<subcore_parallel>], iteration_bounds = array<i64: 2, 16>, scalar_prefetch = 0 : i64, scratch_operands = 6 : i64, tpu.core_type = #tpu.core_type<sc_vector_subcore>, window_params = [{transform_indices = #map}, {transform_indices = #map1}]} {
    %mul3A = arith.constant 2 : i32
    %mul3A_0 = arith.muli %arg1, %mul3A : i32
    %add3A = arith.addi %mul3A_0, %arg0 : i32
    %broadcast_in_dim3A = arith.constant 0xFF800000 : f32
    %broadcast_in_dim3A_1 = vector.broadcast %broadcast_in_dim3A : f32 to vector<16xf32>
    %broadcast_in_dim3A_2 = arith.constant 0x7F800000 : f32
    %broadcast_in_dim3A_3 = vector.broadcast %broadcast_in_dim3A_2 : f32 to vector<16xf32>
    %mul3A_4 = arith.constant 6 : i32
    %mul3A_5 = arith.muli %add3A, %mul3A_4 : i32
    %add3A_6 = arith.constant 0 : i32
    %add3A_7 = arith.addi %mul3A_5, %add3A_6 : i32
    %min3A = arith.constant 191 : i32
    %min3A_8 = arith.minsi %add3A_7, %min3A : i32
    %jit3A = arith.constant 6 : i32
    %div3A = arith.divsi %min3A_8, %jit3A : i32
    %sign3A = arith.constant 0 : i32
    %sign3A_9 = arith.cmpi sgt, %min3A_8, %sign3A : i32
    %sign3A_10 = arith.extui %sign3A_9 : i1 to i32
    %sign3A_11 = arith.constant 0 : i32
    %sign3A_12 = arith.cmpi slt, %min3A_8, %sign3A_11 : i32
    %sign3A_13 = arith.extui %sign3A_12 : i1 to i32
    %sign3A_14 = arith.subi %sign3A_10, %sign3A_13 : i32
    %sign3A_15 = arith.constant 0 : i32
    %sign3A_16 = arith.cmpi sgt, %jit3A, %sign3A_15 : i32
    %sign3A_17 = arith.extui %sign3A_16 : i1 to i32
    %sign3A_18 = arith.constant 0 : i32
    %sign3A_19 = arith.cmpi slt, %jit3A, %sign3A_18 : i32
    %sign3A_20 = arith.extui %sign3A_19 : i1 to i32
    %sign3A_21 = arith.subi %sign3A_17, %sign3A_20 : i32
    %ne3A = arith.cmpi ne, %sign3A_14, %sign3A_21 : i32
    %rem3A = arith.remsi %min3A_8, %jit3A : i32
    %ne3A_22 = arith.constant 0 : i32
    %ne3A_23 = arith.cmpi ne, %rem3A, %ne3A_22 : i32
    %and3A = arith.andi %ne3A, %ne3A_23 : i1
    %sub3A = arith.constant 1 : i32
    %sub3A_24 = arith.subi %div3A, %sub3A : i32
    %select_n3A = arith.select %and3A, %sub3A_24, %div3A : i32
    %jit3A_25 = arith.constant 6 : i32
    %eq3A = arith.constant 0 : i32
    %eq3A_26 = arith.cmpi eq, %jit3A_25, %eq3A : i32
    %jit3A_27 = arith.constant 1 : i32
    %select_n3A_28 = arith.select %eq3A_26, %jit3A_27, %jit3A_25 : i32
    %rem3A_29 = arith.remsi %min3A_8, %select_n3A_28 : i32
    %ne3A_30 = arith.constant 0 : i32
    %ne3A_31 = arith.cmpi ne, %rem3A_29, %ne3A_30 : i32
    %lt3A = arith.constant 0 : i32
    %lt3A_32 = arith.cmpi slt, %rem3A_29, %lt3A : i32
    %lt3A_33 = arith.constant 0 : i32
    %lt3A_34 = arith.cmpi slt, %select_n3A_28, %lt3A_33 : i32
    %ne3A_35 = arith.xori %lt3A_32, %lt3A_34 : i1
    %and3A_36 = arith.andi %ne3A_35, %ne3A_31 : i1
    %add3A_37 = arith.addi %rem3A_29, %select_n3A_28 : i32
    %select_n3A_38 = arith.select %and3A_36, %add3A_37, %rem3A_29 : i32
    %mul3A_39 = arith.constant 1024 : i32
    %mul3A_40 = arith.muli %select_n3A, %mul3A_39 : i32
    %add3A_41 = arith.constant 0 : i32
    %add3A_42 = arith.addi %mul3A_40, %add3A_41 : i32
    %mul3A_43 = arith.constant 128 : i32
    %mul3A_44 = arith.muli %select_n3A_38, %mul3A_43 : i32
    %dma_start3A = tpu.memref_slice %arg2[%add3A_42, %mul3A_44] : memref<65536x768xf32, #tpu.memory_space<hbm>> -> memref<256x128xf32, #tpu.memory_space<hbm>>
    %dma_start3A_45 = tpu.memref_slice %arg2[%add3A_42, %mul3A_44] : memref<65536x768xf32, #tpu.memory_space<hbm>> -> memref<256x128xf32, #tpu.memory_space<hbm>>
    tpu.enqueue_dma source(%dma_start3A_45 : memref<256x128xf32, #tpu.memory_space<hbm>>) target(%arg4 : memref<256x128xf32, #tpu.memory_space<vmem>>) target_semaphore(%arg8 : memref<!tpu.dma_semaphore, #tpu.memory_space<semaphore_mem>>)
    %scan3A = arith.constant 0 : i32
    %scan3A_46 = arith.constant 0 : i32
    %scan3A_47 = arith.constant 12 : i32
    %scan3A_48 = arith.addi %scan3A_46, %scan3A_47 : i32
    %scan3A_49 = arith.constant 1 : i32
    scf.for %scan3A_53 = %scan3A_46 to %scan3A_48 step %scan3A_49  : i32 {
      %mul3A_54 = arith.constant 2 : i32
      %mul3A_55 = arith.muli %mul3A_54, %scan3A_53 : i32
      %add3A_56 = arith.constant 1 : i32
      %add3A_57 = arith.addi %mul3A_55, %add3A_56 : i32
      %mul3A_58 = arith.constant 6 : i32
      %mul3A_59 = arith.muli %add3A, %mul3A_58 : i32
      %jit3A_60 = arith.constant 4 : i32
      %div3A_61 = arith.divsi %add3A_57, %jit3A_60 : i32
      %sign3A_62 = arith.constant 0 : i32
      %sign3A_63 = arith.cmpi sgt, %add3A_57, %sign3A_62 : i32
      %sign3A_64 = arith.extui %sign3A_63 : i1 to i32
      %sign3A_65 = arith.constant 0 : i32
      %sign3A_66 = arith.cmpi slt, %add3A_57, %sign3A_65 : i32
      %sign3A_67 = arith.extui %sign3A_66 : i1 to i32
      %sign3A_68 = arith.subi %sign3A_64, %sign3A_67 : i32
      %sign3A_69 = arith.constant 0 : i32
      %sign3A_70 = arith.cmpi sgt, %jit3A_60, %sign3A_69 : i32
      %sign3A_71 = arith.extui %sign3A_70 : i1 to i32
      %sign3A_72 = arith.constant 0 : i32
      %sign3A_73 = arith.cmpi slt, %jit3A_60, %sign3A_72 : i32
      %sign3A_74 = arith.extui %sign3A_73 : i1 to i32
      %sign3A_75 = arith.subi %sign3A_71, %sign3A_74 : i32
      %ne3A_76 = arith.cmpi ne, %sign3A_68, %sign3A_75 : i32
      %rem3A_77 = arith.remsi %add3A_57, %jit3A_60 : i32
      %ne3A_78 = arith.constant 0 : i32
      %ne3A_79 = arith.cmpi ne, %rem3A_77, %ne3A_78 : i32
      %and3A_80 = arith.andi %ne3A_76, %ne3A_79 : i1
      %sub3A_81 = arith.constant 1 : i32
      %sub3A_82 = arith.subi %div3A_61, %sub3A_81 : i32
      %select_n3A_83 = arith.select %and3A_80, %sub3A_82, %div3A_61 : i32
      %add3A_84 = arith.addi %mul3A_59, %select_n3A_83 : i32
      %min3A_85 = arith.constant 191 : i32
      %min3A_86 = arith.minsi %add3A_84, %min3A_85 : i32
      %jit3A_87 = arith.constant 4 : i32
      %eq3A_88 = arith.constant 0 : i32
      %eq3A_89 = arith.cmpi eq, %jit3A_87, %eq3A_88 : i32
      %jit3A_90 = arith.constant 1 : i32
      %select_n3A_91 = arith.select %eq3A_89, %jit3A_90, %jit3A_87 : i32
      %rem3A_92 = arith.remsi %add3A_57, %select_n3A_91 : i32
      %ne3A_93 = arith.constant 0 : i32
      %ne3A_94 = arith.cmpi ne, %rem3A_92, %ne3A_93 : i32
      %lt3A_95 = arith.constant 0 : i32
      %lt3A_96 = arith.cmpi slt, %rem3A_92, %lt3A_95 : i32
      %lt3A_97 = arith.constant 0 : i32
      %lt3A_98 = arith.cmpi slt, %select_n3A_91, %lt3A_97 : i32
      %ne3A_99 = arith.xori %lt3A_96, %lt3A_98 : i1
      %and3A_100 = arith.andi %ne3A_99, %ne3A_94 : i1
      %add3A_101 = arith.addi %rem3A_92, %select_n3A_91 : i32
      %select_n3A_102 = arith.select %and3A_100, %add3A_101, %rem3A_92 : i32
      %jit3A_103 = arith.constant 6 : i32
      %div3A_104 = arith.divsi %min3A_86, %jit3A_103 : i32
      %sign3A_105 = arith.constant 0 : i32
      %sign3A_106 = arith.cmpi sgt, %min3A_86, %sign3A_105 : i32
      %sign3A_107 = arith.extui %sign3A_106 : i1 to i32
      %sign3A_108 = arith.constant 0 : i32
      %sign3A_109 = arith.cmpi slt, %min3A_86, %sign3A_108 : i32
      %sign3A_110 = arith.extui %sign3A_109 : i1 to i32
      %sign3A_111 = arith.subi %sign3A_107, %sign3A_110 : i32
      %sign3A_112 = arith.constant 0 : i32
      %sign3A_113 = arith.cmpi sgt, %jit3A_103, %sign3A_112 : i32
      %sign3A_114 = arith.extui %sign3A_113 : i1 to i32
      %sign3A_115 = arith.constant 0 : i32
      %sign3A_116 = arith.cmpi slt, %jit3A_103, %sign3A_115 : i32
      %sign3A_117 = arith.extui %sign3A_116 : i1 to i32
      %sign3A_118 = arith.subi %sign3A_114, %sign3A_117 : i32
      %ne3A_119 = arith.cmpi ne, %sign3A_111, %sign3A_118 : i32
      %rem3A_120 = arith.remsi %min3A_86, %jit3A_103 : i32
      %ne3A_121 = arith.constant 0 : i32
      %ne3A_122 = arith.cmpi ne, %rem3A_120, %ne3A_121 : i32
      %and3A_123 = arith.andi %ne3A_119, %ne3A_122 : i1
      %sub3A_124 = arith.constant 1 : i32
      %sub3A_125 = arith.subi %div3A_104, %sub3A_124 : i32
      %select_n3A_126 = arith.select %and3A_123, %sub3A_125, %div3A_104 : i32
      %jit3A_127 = arith.constant 6 : i32
      %eq3A_128 = arith.constant 0 : i32
      %eq3A_129 = arith.cmpi eq, %jit3A_127, %eq3A_128 : i32
      %jit3A_130 = arith.constant 1 : i32
      %select_n3A_131 = arith.select %eq3A_129, %jit3A_130, %jit3A_127 : i32
      %rem3A_132 = arith.remsi %min3A_86, %select_n3A_131 : i32
      %ne3A_133 = arith.constant 0 : i32
      %ne3A_134 = arith.cmpi ne, %rem3A_132, %ne3A_133 : i32
      %lt3A_135 = arith.constant 0 : i32
      %lt3A_136 = arith.cmpi slt, %rem3A_132, %lt3A_135 : i32
      %lt3A_137 = arith.constant 0 : i32
      %lt3A_138 = arith.cmpi slt, %select_n3A_131, %lt3A_137 : i32
      %ne3A_139 = arith.xori %lt3A_136, %lt3A_138 : i1
      %and3A_140 = arith.andi %ne3A_139, %ne3A_134 : i1
      %add3A_141 = arith.addi %rem3A_132, %select_n3A_131 : i32
      %select_n3A_142 = arith.select %and3A_140, %add3A_141, %rem3A_132 : i32
      %mul3A_143 = arith.constant 1024 : i32
      %mul3A_144 = arith.muli %select_n3A_126, %mul3A_143 : i32
      %mul3A_145 = arith.constant 256 : i32
      %mul3A_146 = arith.muli %select_n3A_102, %mul3A_145 : i32
      %add3A_147 = arith.addi %mul3A_144, %mul3A_146 : i32
      %mul3A_148 = arith.constant 128 : i32
      %mul3A_149 = arith.muli %select_n3A_142, %mul3A_148 : i32
      %dma_start3A_150 = tpu.memref_slice %arg2[%add3A_147, %mul3A_149] : memref<65536x768xf32, #tpu.memory_space<hbm>> -> memref<256x128xf32, #tpu.memory_space<hbm>>
      %dma_start3A_151 = tpu.memref_slice %arg2[%add3A_147, %mul3A_149] : memref<65536x768xf32, #tpu.memory_space<hbm>> -> memref<256x128xf32, #tpu.memory_space<hbm>>
      tpu.enqueue_dma source(%dma_start3A_151 : memref<256x128xf32, #tpu.memory_space<hbm>>) target(%arg5 : memref<256x128xf32, #tpu.memory_space<vmem>>) target_semaphore(%arg9 : memref<!tpu.dma_semaphore, #tpu.memory_space<semaphore_mem>>)
      %mul3A_152 = arith.constant 6 : i32
      %mul3A_153 = arith.muli %add3A, %mul3A_152 : i32
      %jit3A_154 = arith.constant 4 : i32
      %div3A_155 = arith.divsi %mul3A_55, %jit3A_154 : i32
      %sign3A_156 = arith.constant 0 : i32
      %sign3A_157 = arith.cmpi sgt, %mul3A_55, %sign3A_156 : i32
      %sign3A_158 = arith.extui %sign3A_157 : i1 to i32
      %sign3A_159 = arith.constant 0 : i32
      %sign3A_160 = arith.cmpi slt, %mul3A_55, %sign3A_159 : i32
      %sign3A_161 = arith.extui %sign3A_160 : i1 to i32
      %sign3A_162 = arith.subi %sign3A_158, %sign3A_161 : i32
      %sign3A_163 = arith.constant 0 : i32
      %sign3A_164 = arith.cmpi sgt, %jit3A_154, %sign3A_163 : i32
      %sign3A_165 = arith.extui %sign3A_164 : i1 to i32
      %sign3A_166 = arith.constant 0 : i32
      %sign3A_167 = arith.cmpi slt, %jit3A_154, %sign3A_166 : i32
      %sign3A_168 = arith.extui %sign3A_167 : i1 to i32
      %sign3A_169 = arith.subi %sign3A_165, %sign3A_168 : i32
      %ne3A_170 = arith.cmpi ne, %sign3A_162, %sign3A_169 : i32
      %rem3A_171 = arith.remsi %mul3A_55, %jit3A_154 : i32
      %ne3A_172 = arith.constant 0 : i32
      %ne3A_173 = arith.cmpi ne, %rem3A_171, %ne3A_172 : i32
      %and3A_174 = arith.andi %ne3A_170, %ne3A_173 : i1
      %sub3A_175 = arith.constant 1 : i32
      %sub3A_176 = arith.subi %div3A_155, %sub3A_175 : i32
      %select_n3A_177 = arith.select %and3A_174, %sub3A_176, %div3A_155 : i32
      %add3A_178 = arith.addi %mul3A_153, %select_n3A_177 : i32
      %min3A_179 = arith.constant 191 : i32
      %min3A_180 = arith.minsi %add3A_178, %min3A_179 : i32
      %jit3A_181 = arith.constant 4 : i32
      %eq3A_182 = arith.constant 0 : i32
      %eq3A_183 = arith.cmpi eq, %jit3A_181, %eq3A_182 : i32
      %jit3A_184 = arith.constant 1 : i32
      %select_n3A_185 = arith.select %eq3A_183, %jit3A_184, %jit3A_181 : i32
      %rem3A_186 = arith.remsi %mul3A_55, %select_n3A_185 : i32
      %ne3A_187 = arith.constant 0 : i32
      %ne3A_188 = arith.cmpi ne, %rem3A_186, %ne3A_187 : i32
      %lt3A_189 = arith.constant 0 : i32
      %lt3A_190 = arith.cmpi slt, %rem3A_186, %lt3A_189 : i32
      %lt3A_191 = arith.constant 0 : i32
      %lt3A_192 = arith.cmpi slt, %select_n3A_185, %lt3A_191 : i32
      %ne3A_193 = arith.xori %lt3A_190, %lt3A_192 : i1
      %and3A_194 = arith.andi %ne3A_193, %ne3A_188 : i1
      %add3A_195 = arith.addi %rem3A_186, %select_n3A_185 : i32
      %select_n3A_196 = arith.select %and3A_194, %add3A_195, %rem3A_186 : i32
      %jit3A_197 = arith.constant 6 : i32
      %div3A_198 = arith.divsi %min3A_180, %jit3A_197 : i32
      %sign3A_199 = arith.constant 0 : i32
      %sign3A_200 = arith.cmpi sgt, %min3A_180, %sign3A_199 : i32
      %sign3A_201 = arith.extui %sign3A_200 : i1 to i32
      %sign3A_202 = arith.constant 0 : i32
      %sign3A_203 = arith.cmpi slt, %min3A_180, %sign3A_202 : i32
      %sign3A_204 = arith.extui %sign3A_203 : i1 to i32
      %sign3A_205 = arith.subi %sign3A_201, %sign3A_204 : i32
      %sign3A_206 = arith.constant 0 : i32
      %sign3A_207 = arith.cmpi sgt, %jit3A_197, %sign3A_206 : i32
      %sign3A_208 = arith.extui %sign3A_207 : i1 to i32
      %sign3A_209 = arith.constant 0 : i32
      %sign3A_210 = arith.cmpi slt, %jit3A_197, %sign3A_209 : i32
      %sign3A_211 = arith.extui %sign3A_210 : i1 to i32
      %sign3A_212 = arith.subi %sign3A_208, %sign3A_211 : i32
      %ne3A_213 = arith.cmpi ne, %sign3A_205, %sign3A_212 : i32
      %rem3A_214 = arith.remsi %min3A_180, %jit3A_197 : i32
      %ne3A_215 = arith.constant 0 : i32
      %ne3A_216 = arith.cmpi ne, %rem3A_214, %ne3A_215 : i32
      %and3A_217 = arith.andi %ne3A_213, %ne3A_216 : i1
      %sub3A_218 = arith.constant 1 : i32
      %sub3A_219 = arith.subi %div3A_198, %sub3A_218 : i32
      %select_n3A_220 = arith.select %and3A_217, %sub3A_219, %div3A_198 : i32
      %jit3A_221 = arith.constant 6 : i32
      %eq3A_222 = arith.constant 0 : i32
      %eq3A_223 = arith.cmpi eq, %jit3A_221, %eq3A_222 : i32
      %jit3A_224 = arith.constant 1 : i32
      %select_n3A_225 = arith.select %eq3A_223, %jit3A_224, %jit3A_221 : i32
      %rem3A_226 = arith.remsi %min3A_180, %select_n3A_225 : i32
      %ne3A_227 = arith.constant 0 : i32
      %ne3A_228 = arith.cmpi ne, %rem3A_226, %ne3A_227 : i32
      %lt3A_229 = arith.constant 0 : i32
      %lt3A_230 = arith.cmpi slt, %rem3A_226, %lt3A_229 : i32
      %lt3A_231 = arith.constant 0 : i32
      %lt3A_232 = arith.cmpi slt, %select_n3A_225, %lt3A_231 : i32
      %ne3A_233 = arith.xori %lt3A_230, %lt3A_232 : i1
      %and3A_234 = arith.andi %ne3A_233, %ne3A_228 : i1
      %add3A_235 = arith.addi %rem3A_226, %select_n3A_225 : i32
      %select_n3A_236 = arith.select %and3A_234, %add3A_235, %rem3A_226 : i32
      %mul3A_237 = arith.constant 1024 : i32
      %mul3A_238 = arith.muli %select_n3A_220, %mul3A_237 : i32
      %mul3A_239 = arith.constant 256 : i32
      %mul3A_240 = arith.muli %select_n3A_196, %mul3A_239 : i32
      %add3A_241 = arith.addi %mul3A_238, %mul3A_240 : i32
      %mul3A_242 = arith.constant 128 : i32
      %mul3A_243 = arith.muli %select_n3A_236, %mul3A_242 : i32
      %dma_wait3A = tpu.memref_slice %arg2[%add3A_241, %mul3A_243] : memref<65536x768xf32, #tpu.memory_space<hbm>> -> memref<256x128xf32, #tpu.memory_space<hbm>>
      %dma_wait3A_244 = tpu.memref_slice %arg2[%add3A_241, %mul3A_243] : memref<65536x768xf32, #tpu.memory_space<hbm>> -> memref<256x128xf32, #tpu.memory_space<hbm>>
      tpu.wait_dma2 semaphore(%arg8 : memref<!tpu.dma_semaphore, #tpu.memory_space<semaphore_mem>>) src(%dma_wait3A_244 : memref<256x128xf32, #tpu.memory_space<hbm>>) dst(%arg4 : memref<256x128xf32, #tpu.memory_space<vmem>>)
      %jit3A_245 = arith.constant 4 : i32
      %eq3A_246 = arith.constant 0 : i32
      %eq3A_247 = arith.cmpi eq, %jit3A_245, %eq3A_246 : i32
      %jit3A_248 = arith.constant 1 : i32
      %select_n3A_249 = arith.select %eq3A_247, %jit3A_248, %jit3A_245 : i32
      %rem3A_250 = arith.remsi %mul3A_55, %select_n3A_249 : i32
      %ne3A_251 = arith.constant 0 : i32
      %ne3A_252 = arith.cmpi ne, %rem3A_250, %ne3A_251 : i32
      %lt3A_253 = arith.constant 0 : i32
      %lt3A_254 = arith.cmpi slt, %rem3A_250, %lt3A_253 : i32
      %lt3A_255 = arith.constant 0 : i32
      %lt3A_256 = arith.cmpi slt, %select_n3A_249, %lt3A_255 : i32
      %ne3A_257 = arith.xori %lt3A_254, %lt3A_256 : i1
      %and3A_258 = arith.andi %ne3A_257, %ne3A_252 : i1
      %add3A_259 = arith.addi %rem3A_250, %select_n3A_249 : i32
      %select_n3A_260 = arith.select %and3A_258, %add3A_259, %rem3A_250 : i32
      %scan3A_261 = arith.constant 0 : i32
      %scan3A_262 = arith.constant 0 : i32
      %scan3A_263 = arith.constant 8 : i32
      %scan3A_264 = arith.addi %scan3A_262, %scan3A_263 : i32
      %scan3A_265 = arith.constant 1 : i32
      %scan3A_266 = scf.for %scan3A_438 = %scan3A_262 to %scan3A_264 step %scan3A_265 iter_args(%scan3A_439 = %scan3A_261) -> (i32)  : i32 {
        %mul3A_440 = arith.constant 16 : i32
        %mul3A_441 = arith.muli %scan3A_438, %mul3A_440 : i32
        %scan3A_442 = arith.constant 0 : i32
        %scan3A_443 = arith.constant 16 : i32
        %scan3A_444 = arith.addi %scan3A_442, %scan3A_443 : i32
        %scan3A_445 = arith.constant 1 : i32
        %scan3A_446:12 = scf.for %scan3A_492 = %scan3A_442 to %scan3A_444 step %scan3A_445 iter_args(%scan3A_493 = %broadcast_in_dim3A_1, %scan3A_494 = %broadcast_in_dim3A_1, %scan3A_495 = %broadcast_in_dim3A_1, %scan3A_496 = %broadcast_in_dim3A_3, %scan3A_497 = %broadcast_in_dim3A_3, %scan3A_498 = %broadcast_in_dim3A_3, %scan3A_499 = %broadcast_in_dim3A_1, %scan3A_500 = %broadcast_in_dim3A_1, %scan3A_501 = %broadcast_in_dim3A_1, %scan3A_502 = %broadcast_in_dim3A_3, %scan3A_503 = %broadcast_in_dim3A_3, %scan3A_504 = %broadcast_in_dim3A_3) -> (vector<16xf32>, vector<16xf32>, vector<16xf32>, vector<16xf32>, vector<16xf32>, vector<16xf32>, vector<16xf32>, vector<16xf32>, vector<16xf32>, vector<16xf32>, vector<16xf32>, vector<16xf32>)  : i32 {
          %mul3A_505 = arith.constant 16 : i32
          %mul3A_506 = arith.muli %scan3A_492, %mul3A_505 : i32
          %add3A_507 = arith.constant 0 : i32
          %add3A_508 = arith.addi %mul3A_506, %add3A_507 : i32
          %get3A = arith.index_cast %add3A_508 : i32 to index
          %get3A_509 = arith.index_cast %mul3A_441 : i32 to index
          %get3A_510 = tpu.vector_load %arg4[%get3A, %get3A_509] {strides = array<i32>} : memref<256x128xf32, #tpu.memory_space<vmem>>, vector<16xf32>,
          %add3A_511 = arith.constant 0 : i32
          %add3A_512 = arith.addi %mul3A_506, %add3A_511 : i32
          %add3A_513 = arith.constant 1 : i32
          %add3A_514 = arith.addi %add3A_512, %add3A_513 : i32
          %get3A_515 = arith.index_cast %add3A_514 : i32 to index
          %get3A_516 = arith.index_cast %mul3A_441 : i32 to index
          %get3A_517 = tpu.vector_load %arg4[%get3A_515, %get3A_516] {strides = array<i32>} : memref<256x128xf32, #tpu.memory_space<vmem>>, vector<16xf32>,
          %add3A_518 = arith.constant 0 : i32
          %add3A_519 = arith.addi %mul3A_506, %add3A_518 : i32
          %add3A_520 = arith.constant 2 : i32
          %add3A_521 = arith.addi %add3A_519, %add3A_520 : i32
          %get3A_522 = arith.index_cast %add3A_521 : i32 to index
          %get3A_523 = arith.index_cast %mul3A_441 : i32 to index
          %get3A_524 = tpu.vector_load %arg4[%get3A_522, %get3A_523] {strides = array<i32>} : memref<256x128xf32, #tpu.memory_space<vmem>>, vector<16xf32>,
          %add3A_525 = arith.constant 0 : i32
          %add3A_526 = arith.addi %mul3A_506, %add3A_525 : i32
          %add3A_527 = arith.constant 3 : i32
          %add3A_528 = arith.addi %add3A_526, %add3A_527 : i32
          %get3A_529 = arith.index_cast %add3A_528 : i32 to index
          %get3A_530 = arith.index_cast %mul3A_441 : i32 to index
          %get3A_531 = tpu.vector_load %arg4[%get3A_529, %get3A_530] {strides = array<i32>} : memref<256x128xf32, #tpu.memory_space<vmem>>, vector<16xf32>,
          %max3A_532 = arith.maximumf %get3A_510, %get3A_517 : vector<16xf32>
          %min3A_533 = arith.minimumf %get3A_510, %get3A_517 : vector<16xf32>
          %max3A_534 = arith.maximumf %get3A_524, %get3A_531 : vector<16xf32>
          %min3A_535 = arith.minimumf %get3A_524, %get3A_531 : vector<16xf32>
          %max3A_536 = arith.maximumf %max3A_532, %max3A_534 : vector<16xf32>
          %min3A_537 = arith.minimumf %max3A_532, %max3A_534 : vector<16xf32>
          %max3A_538 = arith.maximumf %min3A_533, %min3A_535 : vector<16xf32>
          %min3A_539 = arith.minimumf %min3A_533, %min3A_535 : vector<16xf32>
          %max3A_540 = arith.maximumf %min3A_537, %max3A_538 : vector<16xf32>
          %min3A_541 = arith.minimumf %min3A_537, %max3A_538 : vector<16xf32>
          %max3A_542 = arith.maximumf %scan3A_493, %max3A_536 : vector<16xf32>
          %min3A_543 = arith.minimumf %scan3A_493, %max3A_536 : vector<16xf32>
          %max3A_544 = arith.maximumf %scan3A_494, %max3A_540 : vector<16xf32>
          %max3A_545 = arith.maximumf %min3A_543, %max3A_544 : vector<16xf32>
          %min3A_546 = arith.minimumf %min3A_543, %max3A_544 : vector<16xf32>
          %min3A_547 = arith.minimumf %scan3A_494, %max3A_540 : vector<16xf32>
          %max3A_548 = arith.maximumf %scan3A_495, %min3A_541 : vector<16xf32>
          %max3A_549 = arith.maximumf %min3A_547, %max3A_548 : vector<16xf32>
          %max3A_550 = arith.maximumf %min3A_546, %max3A_549 : vector<16xf32>
          %min3A_551 = arith.minimumf %scan3A_496, %min3A_539 : vector<16xf32>
          %max3A_552 = arith.maximumf %scan3A_496, %min3A_539 : vector<16xf32>
          %min3A_553 = arith.minimumf %scan3A_497, %min3A_541 : vector<16xf32>
          %min3A_554 = arith.minimumf %max3A_552, %min3A_553 : vector<16xf32>
          %max3A_555 = arith.maximumf %max3A_552, %min3A_553 : vector<16xf32>
          %max3A_556 = arith.maximumf %scan3A_497, %min3A_541 : vector<16xf32>
          %min3A_557 = arith.minimumf %scan3A_498, %max3A_540 : vector<16xf32>
          %min3A_558 = arith.minimumf %max3A_556, %min3A_557 : vector<16xf32>
          %min3A_559 = arith.minimumf %max3A_555, %min3A_558 : vector<16xf32>
          %add3A_560 = arith.constant 0 : i32
          %add3A_561 = arith.addi %mul3A_506, %add3A_560 : i32
          %add3A_562 = arith.constant 4 : i32
          %add3A_563 = arith.addi %add3A_561, %add3A_562 : i32
          %get3A_564 = arith.index_cast %add3A_563 : i32 to index
          %get3A_565 = arith.index_cast %mul3A_441 : i32 to index
          %get3A_566 = tpu.vector_load %arg4[%get3A_564, %get3A_565] {strides = array<i32>} : memref<256x128xf32, #tpu.memory_space<vmem>>, vector<16xf32>,
          %add3A_567 = arith.constant 0 : i32
          %add3A_568 = arith.addi %mul3A_506, %add3A_567 : i32
          %add3A_569 = arith.constant 5 : i32
          %add3A_570 = arith.addi %add3A_568, %add3A_569 : i32
          %get3A_571 = arith.index_cast %add3A_570 : i32 to index
          %get3A_572 = arith.index_cast %mul3A_441 : i32 to index
          %get3A_573 = tpu.vector_load %arg4[%get3A_571, %get3A_572] {strides = array<i32>} : memref<256x128xf32, #tpu.memory_space<vmem>>, vector<16xf32>,
          %add3A_574 = arith.constant 0 : i32
          %add3A_575 = arith.addi %mul3A_506, %add3A_574 : i32
          %add3A_576 = arith.constant 6 : i32
          %add3A_577 = arith.addi %add3A_575, %add3A_576 : i32
          %get3A_578 = arith.index_cast %add3A_577 : i32 to index
          %get3A_579 = arith.index_cast %mul3A_441 : i32 to index
          %get3A_580 = tpu.vector_load %arg4[%get3A_578, %get3A_579] {strides = array<i32>} : memref<256x128xf32, #tpu.memory_space<vmem>>, vector<16xf32>,
          %add3A_581 = arith.constant 0 : i32
          %add3A_582 = arith.addi %mul3A_506, %add3A_581 : i32
          %add3A_583 = arith.constant 7 : i32
          %add3A_584 = arith.addi %add3A_582, %add3A_583 : i32
          %get3A_585 = arith.index_cast %add3A_584 : i32 to index
          %get3A_586 = arith.index_cast %mul3A_441 : i32 to index
          %get3A_587 = tpu.vector_load %arg4[%get3A_585, %get3A_586] {strides = array<i32>} : memref<256x128xf32, #tpu.memory_space<vmem>>, vector<16xf32>,
          %max3A_588 = arith.maximumf %get3A_566, %get3A_573 : vector<16xf32>
          %min3A_589 = arith.minimumf %get3A_566, %get3A_573 : vector<16xf32>
          %max3A_590 = arith.maximumf %get3A_580, %get3A_587 : vector<16xf32>
          %min3A_591 = arith.minimumf %get3A_580, %get3A_587 : vector<16xf32>
          %max3A_592 = arith.maximumf %max3A_588, %max3A_590 : vector<16xf32>
          %min3A_593 = arith.minimumf %max3A_588, %max3A_590 : vector<16xf32>
          %max3A_594 = arith.maximumf %min3A_589, %min3A_591 : vector<16xf32>
          %min3A_595 = arith.minimumf %min3A_589, %min3A_591 : vector<16xf32>
          %max3A_596 = arith.maximumf %min3A_593, %max3A_594 : vector<16xf32>
          %min3A_597 = arith.minimumf %min3A_593, %max3A_594 : vector<16xf32>
          %max3A_598 = arith.maximumf %scan3A_499, %max3A_592 : vector<16xf32>
          %min3A_599 = arith.minimumf %scan3A_499, %max3A_592 : vector<16xf32>
          %max3A_600 = arith.maximumf %scan3A_500, %max3A_596 : vector<16xf32>
          %max3A_601 = arith.maximumf %min3A_599, %max3A_600 : vector<16xf32>
          %min3A_602 = arith.minimumf %min3A_599, %max3A_600 : vector<16xf32>
          %min3A_603 = arith.minimumf %scan3A_500, %max3A_596 : vector<16xf32>
          %max3A_604 = arith.maximumf %scan3A_501, %min3A_597 : vector<16xf32>
          %max3A_605 = arith.maximumf %min3A_603, %max3A_604 : vector<16xf32>
          %max3A_606 = arith.maximumf %min3A_602, %max3A_605 : vector<16xf32>
          %min3A_607 = arith.minimumf %scan3A_502, %min3A_595 : vector<16xf32>
          %max3A_608 = arith.maximumf %scan3A_502, %min3A_595 : vector<16xf32>
          %min3A_609 = arith.minimumf %scan3A_503, %min3A_597 : vector<16xf32>
          %min3A_610 = arith.minimumf %max3A_608, %min3A_609 : vector<16xf32>
          %max3A_611 = arith.maximumf %max3A_608, %min3A_609 : vector<16xf32>
          %max3A_612 = arith.maximumf %scan3A_503, %min3A_597 : vector<16xf32>
          %min3A_613 = arith.minimumf %scan3A_504, %max3A_596 : vector<16xf32>
          %min3A_614 = arith.minimumf %max3A_612, %min3A_613 : vector<16xf32>
          %min3A_615 = arith.minimumf %max3A_611, %min3A_614 : vector<16xf32>
          %add3A_616 = arith.constant 8 : i32
          %add3A_617 = arith.addi %mul3A_506, %add3A_616 : i32
          %get3A_618 = arith.index_cast %add3A_617 : i32 to index
          %get3A_619 = arith.index_cast %mul3A_441 : i32 to index
          %get3A_620 = tpu.vector_load %arg4[%get3A_618, %get3A_619] {strides = array<i32>} : memref<256x128xf32, #tpu.memory_space<vmem>>, vector<16xf32>,
          %add3A_621 = arith.constant 8 : i32
          %add3A_622 = arith.addi %mul3A_506, %add3A_621 : i32
          %add3A_623 = arith.constant 1 : i32
          %add3A_624 = arith.addi %add3A_622, %add3A_623 : i32
          %get3A_625 = arith.index_cast %add3A_624 : i32 to index
          %get3A_626 = arith.index_cast %mul3A_441 : i32 to index
          %get3A_627 = tpu.vector_load %arg4[%get3A_625, %get3A_626] {strides = array<i32>} : memref<256x128xf32, #tpu.memory_space<vmem>>, vector<16xf32>,
          %add3A_628 = arith.constant 8 : i32
          %add3A_629 = arith.addi %mul3A_506, %add3A_628 : i32
          %add3A_630 = arith.constant 2 : i32
          %add3A_631 = arith.addi %add3A_629, %add3A_630 : i32
          %get3A_632 = arith.index_cast %add3A_631 : i32 to index
          %get3A_633 = arith.index_cast %mul3A_441 : i32 to index
          %get3A_634 = tpu.vector_load %arg4[%get3A_632, %get3A_633] {strides = array<i32>} : memref<256x128xf32, #tpu.memory_space<vmem>>, vector<16xf32>,
          %add3A_635 = arith.constant 8 : i32
          %add3A_636 = arith.addi %mul3A_506, %add3A_635 : i32
          %add3A_637 = arith.constant 3 : i32
          %add3A_638 = arith.addi %add3A_636, %add3A_637 : i32
          %get3A_639 = arith.index_cast %add3A_638 : i32 to index
          %get3A_640 = arith.index_cast %mul3A_441 : i32 to index
          %get3A_641 = tpu.vector_load %arg4[%get3A_639, %get3A_640] {strides = array<i32>} : memref<256x128xf32, #tpu.memory_space<vmem>>, vector<16xf32>,
          %max3A_642 = arith.maximumf %get3A_620, %get3A_627 : vector<16xf32>
          %min3A_643 = arith.minimumf %get3A_620, %get3A_627 : vector<16xf32>
          %max3A_644 = arith.maximumf %get3A_634, %get3A_641 : vector<16xf32>
          %min3A_645 = arith.minimumf %get3A_634, %get3A_641 : vector<16xf32>
          %max3A_646 = arith.maximumf %max3A_642, %max3A_644 : vector<16xf32>
          %min3A_647 = arith.minimumf %max3A_642, %max3A_644 : vector<16xf32>
          %max3A_648 = arith.maximumf %min3A_643, %min3A_645 : vector<16xf32>
          %min3A_649 = arith.minimumf %min3A_643, %min3A_645 : vector<16xf32>
          %max3A_650 = arith.maximumf %min3A_647, %max3A_648 : vector<16xf32>
          %min3A_651 = arith.minimumf %min3A_647, %max3A_648 : vector<16xf32>
          %max3A_652 = arith.maximumf %max3A_542, %max3A_646 : vector<16xf32>
          %min3A_653 = arith.minimumf %max3A_542, %max3A_646 : vector<16xf32>
          %max3A_654 = arith.maximumf %max3A_545, %max3A_650 : vector<16xf32>
          %max3A_655 = arith.maximumf %min3A_653, %max3A_654 : vector<16xf32>
          %min3A_656 = arith.minimumf %min3A_653, %max3A_654 : vector<16xf32>
          %min3A_657 = arith.minimumf %max3A_545, %max3A_650 : vector<16xf32>
          %max3A_658 = arith.maximumf %max3A_550, %min3A_651 : vector<16xf32>
          %max3A_659 = arith.maximumf %min3A_657, %max3A_658 : vector<16xf32>
          %max3A_660 = arith.maximumf %min3A_656, %max3A_659 : vector<16xf32>
          %min3A_661 = arith.minimumf %min3A_551, %min3A_649 : vector<16xf32>
          %max3A_662 = arith.maximumf %min3A_551, %min3A_649 : vector<16xf32>
          %min3A_663 = arith.minimumf %min3A_554, %min3A_651 : vector<16xf32>
          %min3A_664 = arith.minimumf %max3A_662, %min3A_663 : vector<16xf32>
          %max3A_665 = arith.maximumf %max3A_662, %min3A_663 : vector<16xf32>
          %max3A_666 = arith.maximumf %min3A_554, %min3A_651 : vector<16xf32>
          %min3A_667 = arith.minimumf %min3A_559, %max3A_650 : vector<16xf32>
          %min3A_668 = arith.minimumf %max3A_666, %min3A_667 : vector<16xf32>
          %min3A_669 = arith.minimumf %max3A_665, %min3A_668 : vector<16xf32>
          %add3A_670 = arith.constant 8 : i32
          %add3A_671 = arith.addi %mul3A_506, %add3A_670 : i32
          %add3A_672 = arith.constant 4 : i32
          %add3A_673 = arith.addi %add3A_671, %add3A_672 : i32
          %get3A_674 = arith.index_cast %add3A_673 : i32 to index
          %get3A_675 = arith.index_cast %mul3A_441 : i32 to index
          %get3A_676 = tpu.vector_load %arg4[%get3A_674, %get3A_675] {strides = array<i32>} : memref<256x128xf32, #tpu.memory_space<vmem>>, vector<16xf32>,
          %add3A_677 = arith.constant 8 : i32
          %add3A_678 = arith.addi %mul3A_506, %add3A_677 : i32
          %add3A_679 = arith.constant 5 : i32
          %add3A_680 = arith.addi %add3A_678, %add3A_679 : i32
          %get3A_681 = arith.index_cast %add3A_680 : i32 to index
          %get3A_682 = arith.index_cast %mul3A_441 : i32 to index
          %get3A_683 = tpu.vector_load %arg4[%get3A_681, %get3A_682] {strides = array<i32>} : memref<256x128xf32, #tpu.memory_space<vmem>>, vector<16xf32>,
          %add3A_684 = arith.constant 8 : i32
          %add3A_685 = arith.addi %mul3A_506, %add3A_684 : i32
          %add3A_686 = arith.constant 6 : i32
          %add3A_687 = arith.addi %add3A_685, %add3A_686 : i32
          %get3A_688 = arith.index_cast %add3A_687 : i32 to index
          %get3A_689 = arith.index_cast %mul3A_441 : i32 to index
          %get3A_690 = tpu.vector_load %arg4[%get3A_688, %get3A_689] {strides = array<i32>} : memref<256x128xf32, #tpu.memory_space<vmem>>, vector<16xf32>,
          %add3A_691 = arith.constant 8 : i32
          %add3A_692 = arith.addi %mul3A_506, %add3A_691 : i32
          %add3A_693 = arith.constant 7 : i32
          %add3A_694 = arith.addi %add3A_692, %add3A_693 : i32
          %get3A_695 = arith.index_cast %add3A_694 : i32 to index
          %get3A_696 = arith.index_cast %mul3A_441 : i32 to index
          %get3A_697 = tpu.vector_load %arg4[%get3A_695, %get3A_696] {strides = array<i32>} : memref<256x128xf32, #tpu.memory_space<vmem>>, vector<16xf32>,
          %max3A_698 = arith.maximumf %get3A_676, %get3A_683 : vector<16xf32>
          %min3A_699 = arith.minimumf %get3A_676, %get3A_683 : vector<16xf32>
          %max3A_700 = arith.maximumf %get3A_690, %get3A_697 : vector<16xf32>
          %min3A_701 = arith.minimumf %get3A_690, %get3A_697 : vector<16xf32>
          %max3A_702 = arith.maximumf %max3A_698, %max3A_700 : vector<16xf32>
          %min3A_703 = arith.minimumf %max3A_698, %max3A_700 : vector<16xf32>
          %max3A_704 = arith.maximumf %min3A_699, %min3A_701 : vector<16xf32>
          %min3A_705 = arith.minimumf %min3A_699, %min3A_701 : vector<16xf32>
          %max3A_706 = arith.maximumf %min3A_703, %max3A_704 : vector<16xf32>
          %min3A_707 = arith.minimumf %min3A_703, %max3A_704 : vector<16xf32>
          %max3A_708 = arith.maximumf %max3A_598, %max3A_702 : vector<16xf32>
          %min3A_709 = arith.minimumf %max3A_598, %max3A_702 : vector<16xf32>
          %max3A_710 = arith.maximumf %max3A_601, %max3A_706 : vector<16xf32>
          %max3A_711 = arith.maximumf %min3A_709, %max3A_710 : vector<16xf32>
          %min3A_712 = arith.minimumf %min3A_709, %max3A_710 : vector<16xf32>
          %min3A_713 = arith.minimumf %max3A_601, %max3A_706 : vector<16xf32>
          %max3A_714 = arith.maximumf %max3A_606, %min3A_707 : vector<16xf32>
          %max3A_715 = arith.maximumf %min3A_713, %max3A_714 : vector<16xf32>
          %max3A_716 = arith.maximumf %min3A_712, %max3A_715 : vector<16xf32>
          %min3A_717 = arith.minimumf %min3A_607, %min3A_705 : vector<16xf32>
          %max3A_718 = arith.maximumf %min3A_607, %min3A_705 : vector<16xf32>
          %min3A_719 = arith.minimumf %min3A_610, %min3A_707 : vector<16xf32>
          %min3A_720 = arith.minimumf %max3A_718, %min3A_719 : vector<16xf32>
          %max3A_721 = arith.maximumf %max3A_718, %min3A_719 : vector<16xf32>
          %max3A_722 = arith.maximumf %min3A_610, %min3A_707 : vector<16xf32>
          %min3A_723 = arith.minimumf %min3A_615, %max3A_706 : vector<16xf32>
          %min3A_724 = arith.minimumf %max3A_722, %min3A_723 : vector<16xf32>
          %min3A_725 = arith.minimumf %max3A_721, %min3A_724 : vector<16xf32>
          scf.yield %max3A_652, %max3A_655, %max3A_660, %min3A_661, %min3A_664, %min3A_669, %max3A_708, %max3A_711, %max3A_716, %min3A_717, %min3A_720, %min3A_725 : vector<16xf32>, vector<16xf32>, vector<16xf32>, vector<16xf32>, vector<16xf32>, vector<16xf32>, vector<16xf32>, vector<16xf32>, vector<16xf32>, vector<16xf32>, vector<16xf32>, vector<16xf32>
        }
        %scan3A_447 = arith.constant 16 : i32
        %max3A = arith.maximumf %scan3A_446#0, %scan3A_446#6 : vector<16xf32>
        %min3A_448 = arith.minimumf %scan3A_446#0, %scan3A_446#6 : vector<16xf32>
        %max3A_449 = arith.maximumf %scan3A_446#1, %scan3A_446#7 : vector<16xf32>
        %max3A_450 = arith.maximumf %min3A_448, %max3A_449 : vector<16xf32>
        %min3A_451 = arith.minimumf %min3A_448, %max3A_449 : vector<16xf32>
        %min3A_452 = arith.minimumf %scan3A_446#1, %scan3A_446#7 : vector<16xf32>
        %max3A_453 = arith.maximumf %scan3A_446#2, %scan3A_446#8 : vector<16xf32>
        %max3A_454 = arith.maximumf %min3A_452, %max3A_453 : vector<16xf32>
        %max3A_455 = arith.maximumf %min3A_451, %max3A_454 : vector<16xf32>
        %min3A_456 = arith.minimumf %scan3A_446#3, %scan3A_446#9 : vector<16xf32>
        %max3A_457 = arith.maximumf %scan3A_446#3, %scan3A_446#9 : vector<16xf32>
        %min3A_458 = arith.minimumf %scan3A_446#4, %scan3A_446#10 : vector<16xf32>
        %min3A_459 = arith.minimumf %max3A_457, %min3A_458 : vector<16xf32>
        %max3A_460 = arith.maximumf %max3A_457, %min3A_458 : vector<16xf32>
        %max3A_461 = arith.maximumf %scan3A_446#4, %scan3A_446#10 : vector<16xf32>
        %min3A_462 = arith.minimumf %scan3A_446#5, %scan3A_446#11 : vector<16xf32>
        %min3A_463 = arith.minimumf %max3A_461, %min3A_462 : vector<16xf32>
        %min3A_464 = arith.minimumf %max3A_460, %min3A_463 : vector<16xf32>
        %mul3A_465 = arith.constant 8 : i32
        %mul3A_466 = arith.muli %select_n3A_260, %mul3A_465 : i32
        %add3A_467 = arith.addi %mul3A_466, %scan3A_438 : i32
        %mul3A_468 = arith.constant 96 : i32
        %mul3A_469 = arith.muli %add3A_467, %mul3A_468 : i32
        %swap3A = arith.index_cast %mul3A_469 : i32 to index
        %swap3A_470 = tpu.vector_load %arg6[%swap3A] {strides = array<i32>} : memref<3072xf32, #tpu.memory_space<vmem>>, vector<16xf32>,
        tpu.vector_store %arg6[%swap3A], %max3A {strides = array<i32>} : memref<3072xf32, #tpu.memory_space<vmem>>, vector<16xf32>,
        %add3A_471 = arith.constant 16 : i32
        %add3A_472 = arith.addi %mul3A_469, %add3A_471 : i32
        %swap3A_473 = arith.index_cast %add3A_472 : i32 to index
        %swap3A_474 = tpu.vector_load %arg6[%swap3A_473] {strides = array<i32>} : memref<3072xf32, #tpu.memory_space<vmem>>, vector<16xf32>,
        tpu.vector_store %arg6[%swap3A_473], %max3A_450 {strides = array<i32>} : memref<3072xf32, #tpu.memory_space<vmem>>, vector<16xf32>,
        %add3A_475 = arith.constant 32 : i32
        %add3A_476 = arith.addi %mul3A_469, %add3A_475 : i32
        %swap3A_477 = arith.index_cast %add3A_476 : i32 to index
        %swap3A_478 = tpu.vector_load %arg6[%swap3A_477] {strides = array<i32>} : memref<3072xf32, #tpu.memory_space<vmem>>, vector<16xf32>,
        tpu.vector_store %arg6[%swap3A_477], %max3A_455 {strides = array<i32>} : memref<3072xf32, #tpu.memory_space<vmem>>, vector<16xf32>,
        %add3A_479 = arith.constant 48 : i32
        %add3A_480 = arith.addi %mul3A_469, %add3A_479 : i32
        %swap3A_481 = arith.index_cast %add3A_480 : i32 to index
        %swap3A_482 = tpu.vector_load %arg6[%swap3A_481] {strides = array<i32>} : memref<3072xf32, #tpu.memory_space<vmem>>, vector<16xf32>,
        tpu.vector_store %arg6[%swap3A_481], %min3A_456 {strides = array<i32>} : memref<3072xf32, #tpu.memory_space<vmem>>, vector<16xf32>,
        %add3A_483 = arith.constant 64 : i32
        %add3A_484 = arith.addi %mul3A_469, %add3A_483 : i32
        %swap3A_485 = arith.index_cast %add3A_484 : i32 to index
        %swap3A_486 = tpu.vector_load %arg6[%swap3A_485] {strides = array<i32>} : memref<3072xf32, #tpu.memory_space<vmem>>, vector<16xf32>,
        tpu.vector_store %arg6[%swap3A_485], %min3A_459 {strides = array<i32>} : memref<3072xf32, #tpu.memory_space<vmem>>, vector<16xf32>,
        %add3A_487 = arith.constant 80 : i32
        %add3A_488 = arith.addi %mul3A_469, %add3A_487 : i32
        %swap3A_489 = arith.index_cast %add3A_488 : i32 to index
        %swap3A_490 = tpu.vector_load %arg6[%swap3A_489] {strides = array<i32>} : memref<3072xf32, #tpu.memory_space<vmem>>, vector<16xf32>,
        tpu.vector_store %arg6[%swap3A_489], %min3A_464 {strides = array<i32>} : memref<3072xf32, #tpu.memory_space<vmem>>, vector<16xf32>,
        %scan3A_491 = arith.constant 0 : i32
        scf.yield %scan3A_491 : i32
      }
      %scan3A_267 = arith.constant 8 : i32
      %jit3A_268 = arith.constant 4 : i32
      %eq3A_269 = arith.constant 0 : i32
      %eq3A_270 = arith.cmpi eq, %jit3A_268, %eq3A_269 : i32
      %jit3A_271 = arith.constant 1 : i32
      %select_n3A_272 = arith.select %eq3A_270, %jit3A_271, %jit3A_268 : i32
      %rem3A_273 = arith.remsi %mul3A_55, %select_n3A_272 : i32
      %ne3A_274 = arith.constant 0 : i32
      %ne3A_275 = arith.cmpi ne, %rem3A_273, %ne3A_274 : i32
      %lt3A_276 = arith.constant 0 : i32
      %lt3A_277 = arith.cmpi slt, %rem3A_273, %lt3A_276 : i32
      %lt3A_278 = arith.constant 0 : i32
      %lt3A_279 = arith.cmpi slt, %select_n3A_272, %lt3A_278 : i32
      %ne3A_280 = arith.xori %lt3A_277, %lt3A_279 : i1
      %and3A_281 = arith.andi %ne3A_280, %ne3A_275 : i1
      %add3A_282 = arith.addi %rem3A_273, %select_n3A_272 : i32
      %select_n3A_283 = arith.select %and3A_281, %add3A_282, %rem3A_273 : i32
      %eq3A_284 = arith.constant 3 : i32
      %eq3A_285 = arith.cmpi eq, %select_n3A_283, %eq3A_284 : i32
      %convert_element_type3A = arith.extui %eq3A_285 : i1 to i32
      %cond3A = arith.constant 0 : i32
      %cond3A_286 = arith.cmpi ne, %convert_element_type3A, %cond3A : i32
      scf.if %cond3A_286 {
        %jit3A_438 = arith.constant 4 : i32
        %div3A_439 = arith.divsi %mul3A_55, %jit3A_438 : i32
        %sign3A_440 = arith.constant 0 : i32
        %sign3A_441 = arith.cmpi sgt, %mul3A_55, %sign3A_440 : i32
        %sign3A_442 = arith.extui %sign3A_441 : i1 to i32
        %sign3A_443 = arith.constant 0 : i32
        %sign3A_444 = arith.cmpi slt, %mul3A_55, %sign3A_443 : i32
        %sign3A_445 = arith.extui %sign3A_444 : i1 to i32
        %sign3A_446 = arith.subi %sign3A_442, %sign3A_445 : i32
        %sign3A_447 = arith.constant 0 : i32
        %sign3A_448 = arith.cmpi sgt, %jit3A_438, %sign3A_447 : i32
        %sign3A_449 = arith.extui %sign3A_448 : i1 to i32
        %sign3A_450 = arith.constant 0 : i32
        %sign3A_451 = arith.cmpi slt, %jit3A_438, %sign3A_450 : i32
        %sign3A_452 = arith.extui %sign3A_451 : i1 to i32
        %sign3A_453 = arith.subi %sign3A_449, %sign3A_452 : i32
        %ne3A_454 = arith.cmpi ne, %sign3A_446, %sign3A_453 : i32
        %rem3A_455 = arith.remsi %mul3A_55, %jit3A_438 : i32
        %ne3A_456 = arith.constant 0 : i32
        %ne3A_457 = arith.cmpi ne, %rem3A_455, %ne3A_456 : i32
        %and3A_458 = arith.andi %ne3A_454, %ne3A_457 : i1
        %sub3A_459 = arith.constant 1 : i32
        %sub3A_460 = arith.subi %div3A_439, %sub3A_459 : i32
        %select_n3A_461 = arith.select %and3A_458, %sub3A_460, %div3A_439 : i32
        %scan3A_462 = arith.constant 0 : i32
        %scan3A_463 = arith.constant 0 : i32
        %scan3A_464 = arith.constant 8 : i32
        %scan3A_465 = arith.addi %scan3A_463, %scan3A_464 : i32
        %scan3A_466 = arith.constant 1 : i32
        %scan3A_467 = scf.for %scan3A_469 = %scan3A_463 to %scan3A_465 step %scan3A_466 iter_args(%scan3A_470 = %scan3A_462) -> (i32)  : i32 {
          %add3A_471 = arith.constant 0 : i32
          %add3A_472 = arith.addi %add3A_471, %scan3A_469 : i32
          %mul3A_473 = arith.constant 96 : i32
          %mul3A_474 = arith.muli %add3A_472, %mul3A_473 : i32
          %add3A_475 = arith.constant 0 : i32
          %add3A_476 = arith.addi %mul3A_474, %add3A_475 : i32
          %get3A = arith.index_cast %add3A_476 : i32 to index
          %get3A_477 = tpu.vector_load %arg6[%get3A] {strides = array<i32>} : memref<3072xf32, #tpu.memory_space<vmem>>, vector<16xf32>,
          %add3A_478 = arith.constant 0 : i32
          %add3A_479 = arith.addi %add3A_478, %scan3A_469 : i32
          %mul3A_480 = arith.constant 96 : i32
          %mul3A_481 = arith.muli %add3A_479, %mul3A_480 : i32
          %add3A_482 = arith.constant 16 : i32
          %add3A_483 = arith.addi %mul3A_481, %add3A_482 : i32
          %get3A_484 = arith.index_cast %add3A_483 : i32 to index
          %get3A_485 = tpu.vector_load %arg6[%get3A_484] {strides = array<i32>} : memref<3072xf32, #tpu.memory_space<vmem>>, vector<16xf32>,
          %add3A_486 = arith.constant 0 : i32
          %add3A_487 = arith.addi %add3A_486, %scan3A_469 : i32
          %mul3A_488 = arith.constant 96 : i32
          %mul3A_489 = arith.muli %add3A_487, %mul3A_488 : i32
          %add3A_490 = arith.constant 32 : i32
          %add3A_491 = arith.addi %mul3A_489, %add3A_490 : i32
          %get3A_492 = arith.index_cast %add3A_491 : i32 to index
          %get3A_493 = tpu.vector_load %arg6[%get3A_492] {strides = array<i32>} : memref<3072xf32, #tpu.memory_space<vmem>>, vector<16xf32>,
          %add3A_494 = arith.constant 0 : i32
          %add3A_495 = arith.addi %add3A_494, %scan3A_469 : i32
          %mul3A_496 = arith.constant 96 : i32
          %mul3A_497 = arith.muli %add3A_495, %mul3A_496 : i32
          %add3A_498 = arith.constant 48 : i32
          %add3A_499 = arith.addi %mul3A_497, %add3A_498 : i32
          %get3A_500 = arith.index_cast %add3A_499 : i32 to index
          %get3A_501 = tpu.vector_load %arg6[%get3A_500] {strides = array<i32>} : memref<3072xf32, #tpu.memory_space<vmem>>, vector<16xf32>,
          %add3A_502 = arith.constant 0 : i32
          %add3A_503 = arith.addi %add3A_502, %scan3A_469 : i32
          %mul3A_504 = arith.constant 96 : i32
          %mul3A_505 = arith.muli %add3A_503, %mul3A_504 : i32
          %add3A_506 = arith.constant 64 : i32
          %add3A_507 = arith.addi %mul3A_505, %add3A_506 : i32
          %get3A_508 = arith.index_cast %add3A_507 : i32 to index
          %get3A_509 = tpu.vector_load %arg6[%get3A_508] {strides = array<i32>} : memref<3072xf32, #tpu.memory_space<vmem>>, vector<16xf32>,
          %add3A_510 = arith.constant 0 : i32
          %add3A_511 = arith.addi %add3A_510, %scan3A_469 : i32
          %mul3A_512 = arith.constant 96 : i32
          %mul3A_513 = arith.muli %add3A_511, %mul3A_512 : i32
          %add3A_514 = arith.constant 80 : i32
          %add3A_515 = arith.addi %mul3A_513, %add3A_514 : i32
          %get3A_516 = arith.index_cast %add3A_515 : i32 to index
          %get3A_517 = tpu.vector_load %arg6[%get3A_516] {strides = array<i32>} : memref<3072xf32, #tpu.memory_space<vmem>>, vector<16xf32>,
          %add3A_518 = arith.constant 8 : i32
          %add3A_519 = arith.addi %add3A_518, %scan3A_469 : i32
          %mul3A_520 = arith.constant 96 : i32
          %mul3A_521 = arith.muli %add3A_519, %mul3A_520 : i32
          %add3A_522 = arith.constant 0 : i32
          %add3A_523 = arith.addi %mul3A_521, %add3A_522 : i32
          %get3A_524 = arith.index_cast %add3A_523 : i32 to index
          %get3A_525 = tpu.vector_load %arg6[%get3A_524] {strides = array<i32>} : memref<3072xf32, #tpu.memory_space<vmem>>, vector<16xf32>,
          %add3A_526 = arith.constant 8 : i32
          %add3A_527 = arith.addi %add3A_526, %scan3A_469 : i32
          %mul3A_528 = arith.constant 96 : i32
          %mul3A_529 = arith.muli %add3A_527, %mul3A_528 : i32
          %add3A_530 = arith.constant 16 : i32
          %add3A_531 = arith.addi %mul3A_529, %add3A_530 : i32
          %get3A_532 = arith.index_cast %add3A_531 : i32 to index
          %get3A_533 = tpu.vector_load %arg6[%get3A_532] {strides = array<i32>} : memref<3072xf32, #tpu.memory_space<vmem>>, vector<16xf32>,
          %add3A_534 = arith.constant 8 : i32
          %add3A_535 = arith.addi %add3A_534, %scan3A_469 : i32
          %mul3A_536 = arith.constant 96 : i32
          %mul3A_537 = arith.muli %add3A_535, %mul3A_536 : i32
          %add3A_538 = arith.constant 32 : i32
          %add3A_539 = arith.addi %mul3A_537, %add3A_538 : i32
          %get3A_540 = arith.index_cast %add3A_539 : i32 to index
          %get3A_541 = tpu.vector_load %arg6[%get3A_540] {strides = array<i32>} : memref<3072xf32, #tpu.memory_space<vmem>>, vector<16xf32>,
          %max3A = arith.maximumf %get3A_477, %get3A_525 : vector<16xf32>
          %min3A_542 = arith.minimumf %get3A_477, %get3A_525 : vector<16xf32>
          %max3A_543 = arith.maximumf %get3A_485, %get3A_533 : vector<16xf32>
          %max3A_544 = arith.maximumf %min3A_542, %max3A_543 : vector<16xf32>
          %min3A_545 = arith.minimumf %min3A_542, %max3A_543 : vector<16xf32>
          %min3A_546 = arith.minimumf %get3A_485, %get3A_533 : vector<16xf32>
          %max3A_547 = arith.maximumf %get3A_493, %get3A_541 : vector<16xf32>
          %max3A_548 = arith.maximumf %min3A_546, %max3A_547 : vector<16xf32>
          %max3A_549 = arith.maximumf %min3A_545, %max3A_548 : vector<16xf32>
          %add3A_550 = arith.constant 8 : i32
          %add3A_551 = arith.addi %add3A_550, %scan3A_469 : i32
          %mul3A_552 = arith.constant 96 : i32
          %mul3A_553 = arith.muli %add3A_551, %mul3A_552 : i32
          %add3A_554 = arith.constant 48 : i32
          %add3A_555 = arith.addi %mul3A_553, %add3A_554 : i32
          %get3A_556 = arith.index_cast %add3A_555 : i32 to index
          %get3A_557 = tpu.vector_load %arg6[%get3A_556] {strides = array<i32>} : memref<3072xf32, #tpu.memory_space<vmem>>, vector<16xf32>,
          %add3A_558 = arith.constant 8 : i32
          %add3A_559 = arith.addi %add3A_558, %scan3A_469 : i32
          %mul3A_560 = arith.constant 96 : i32
          %mul3A_561 = arith.muli %add3A_559, %mul3A_560 : i32
          %add3A_562 = arith.constant 64 : i32
          %add3A_563 = arith.addi %mul3A_561, %add3A_562 : i32
          %get3A_564 = arith.index_cast %add3A_563 : i32 to index
          %get3A_565 = tpu.vector_load %arg6[%get3A_564] {strides = array<i32>} : memref<3072xf32, #tpu.memory_space<vmem>>, vector<16xf32>,
          %add3A_566 = arith.constant 8 : i32
          %add3A_567 = arith.addi %add3A_566, %scan3A_469 : i32
          %mul3A_568 = arith.constant 96 : i32
          %mul3A_569 = arith.muli %add3A_567, %mul3A_568 : i32
          %add3A_570 = arith.constant 80 : i32
          %add3A_571 = arith.addi %mul3A_569, %add3A_570 : i32
          %get3A_572 = arith.index_cast %add3A_571 : i32 to index
          %get3A_573 = tpu.vector_load %arg6[%get3A_572] {strides = array<i32>} : memref<3072xf32, #tpu.memory_space<vmem>>, vector<16xf32>,
          %min3A_574 = arith.minimumf %get3A_501, %get3A_557 : vector<16xf32>
          %max3A_575 = arith.maximumf %get3A_501, %get3A_557 : vector<16xf32>
          %min3A_576 = arith.minimumf %get3A_509, %get3A_565 : vector<16xf32>
          %min3A_577 = arith.minimumf %max3A_575, %min3A_576 : vector<16xf32>
          %max3A_578 = arith.maximumf %max3A_575, %min3A_576 : vector<16xf32>
          %max3A_579 = arith.maximumf %get3A_509, %get3A_565 : vector<16xf32>
          %min3A_580 = arith.minimumf %get3A_517, %get3A_573 : vector<16xf32>
          %min3A_581 = arith.minimumf %max3A_579, %min3A_580 : vector<16xf32>
          %min3A_582 = arith.minimumf %max3A_578, %min3A_581 : vector<16xf32>
          %add3A_583 = arith.constant 16 : i32
          %add3A_584 = arith.addi %add3A_583, %scan3A_469 : i32
          %mul3A_585 = arith.constant 96 : i32
          %mul3A_586 = arith.muli %add3A_584, %mul3A_585 : i32
          %add3A_587 = arith.constant 0 : i32
          %add3A_588 = arith.addi %mul3A_586, %add3A_587 : i32
          %get3A_589 = arith.index_cast %add3A_588 : i32 to index
          %get3A_590 = tpu.vector_load %arg6[%get3A_589] {strides = array<i32>} : memref<3072xf32, #tpu.memory_space<vmem>>, vector<16xf32>,
          %add3A_591 = arith.constant 16 : i32
          %add3A_592 = arith.addi %add3A_591, %scan3A_469 : i32
          %mul3A_593 = arith.constant 96 : i32
          %mul3A_594 = arith.muli %add3A_592, %mul3A_593 : i32
          %add3A_595 = arith.constant 16 : i32
          %add3A_596 = arith.addi %mul3A_594, %add3A_595 : i32
          %get3A_597 = arith.index_cast %add3A_596 : i32 to index
          %get3A_598 = tpu.vector_load %arg6[%get3A_597] {strides = array<i32>} : memref<3072xf32, #tpu.memory_space<vmem>>, vector<16xf32>,
          %add3A_599 = arith.constant 16 : i32
          %add3A_600 = arith.addi %add3A_599, %scan3A_469 : i32
          %mul3A_601 = arith.constant 96 : i32
          %mul3A_602 = arith.muli %add3A_600, %mul3A_601 : i32
          %add3A_603 = arith.constant 32 : i32
          %add3A_604 = arith.addi %mul3A_602, %add3A_603 : i32
          %get3A_605 = arith.index_cast %add3A_604 : i32 to index
          %get3A_606 = tpu.vector_load %arg6[%get3A_605] {strides = array<i32>} : memref<3072xf32, #tpu.memory_space<vmem>>, vector<16xf32>,
          %max3A_607 = arith.maximumf %max3A, %get3A_590 : vector<16xf32>
          %min3A_608 = arith.minimumf %max3A, %get3A_590 : vector<16xf32>
          %max3A_609 = arith.maximumf %max3A_544, %get3A_598 : vector<16xf32>
          %max3A_610 = arith.maximumf %min3A_608, %max3A_609 : vector<16xf32>
          %min3A_611 = arith.minimumf %min3A_608, %max3A_609 : vector<16xf32>
          %min3A_612 = arith.minimumf %max3A_544, %get3A_598 : vector<16xf32>
          %max3A_613 = arith.maximumf %max3A_549, %get3A_606 : vector<16xf32>
          %max3A_614 = arith.maximumf %min3A_612, %max3A_613 : vector<16xf32>
          %max3A_615 = arith.maximumf %min3A_611, %max3A_614 : vector<16xf32>
          %add3A_616 = arith.constant 16 : i32
          %add3A_617 = arith.addi %add3A_616, %scan3A_469 : i32
          %mul3A_618 = arith.constant 96 : i32
          %mul3A_619 = arith.muli %add3A_617, %mul3A_618 : i32
          %add3A_620 = arith.constant 48 : i32
          %add3A_621 = arith.addi %mul3A_619, %add3A_620 : i32
          %get3A_622 = arith.index_cast %add3A_621 : i32 to index
          %get3A_623 = tpu.vector_load %arg6[%get3A_622] {strides = array<i32>} : memref<3072xf32, #tpu.memory_space<vmem>>, vector<16xf32>,
          %add3A_624 = arith.constant 16 : i32
          %add3A_625 = arith.addi %add3A_624, %scan3A_469 : i32
          %mul3A_626 = arith.constant 96 : i32
          %mul3A_627 = arith.muli %add3A_625, %mul3A_626 : i32
          %add3A_628 = arith.constant 64 : i32
          %add3A_629 = arith.addi %mul3A_627, %add3A_628 : i32
          %get3A_630 = arith.index_cast %add3A_629 : i32 to index
          %get3A_631 = tpu.vector_load %arg6[%get3A_630] {strides = array<i32>} : memref<3072xf32, #tpu.memory_space<vmem>>, vector<16xf32>,
          %add3A_632 = arith.constant 16 : i32
          %add3A_633 = arith.addi %add3A_632, %scan3A_469 : i32
          %mul3A_634 = arith.constant 96 : i32
          %mul3A_635 = arith.muli %add3A_633, %mul3A_634 : i32
          %add3A_636 = arith.constant 80 : i32
          %add3A_637 = arith.addi %mul3A_635, %add3A_636 : i32
          %get3A_638 = arith.index_cast %add3A_637 : i32 to index
          %get3A_639 = tpu.vector_load %arg6[%get3A_638] {strides = array<i32>} : memref<3072xf32, #tpu.memory_space<vmem>>, vector<16xf32>,
          %min3A_640 = arith.minimumf %min3A_574, %get3A_623 : vector<16xf32>
          %max3A_641 = arith.maximumf %min3A_574, %get3A_623 : vector<16xf32>
          %min3A_642 = arith.minimumf %min3A_577, %get3A_631 : vector<16xf32>
          %min3A_643 = arith.minimumf %max3A_641, %min3A_642 : vector<16xf32>
          %max3A_644 = arith.maximumf %max3A_641, %min3A_642 : vector<16xf32>
          %max3A_645 = arith.maximumf %min3A_577, %get3A_631 : vector<16xf32>
          %min3A_646 = arith.minimumf %min3A_582, %get3A_639 : vector<16xf32>
          %min3A_647 = arith.minimumf %max3A_645, %min3A_646 : vector<16xf32>
          %min3A_648 = arith.minimumf %max3A_644, %min3A_647 : vector<16xf32>
          %add3A_649 = arith.constant 24 : i32
          %add3A_650 = arith.addi %add3A_649, %scan3A_469 : i32
          %mul3A_651 = arith.constant 96 : i32
          %mul3A_652 = arith.muli %add3A_650, %mul3A_651 : i32
          %add3A_653 = arith.constant 0 : i32
          %add3A_654 = arith.addi %mul3A_652, %add3A_653 : i32
          %get3A_655 = arith.index_cast %add3A_654 : i32 to index
          %get3A_656 = tpu.vector_load %arg6[%get3A_655] {strides = array<i32>} : memref<3072xf32, #tpu.memory_space<vmem>>, vector<16xf32>,
          %add3A_657 = arith.constant 24 : i32
          %add3A_658 = arith.addi %add3A_657, %scan3A_469 : i32
          %mul3A_659 = arith.constant 96 : i32
          %mul3A_660 = arith.muli %add3A_658, %mul3A_659 : i32
          %add3A_661 = arith.constant 16 : i32
          %add3A_662 = arith.addi %mul3A_660, %add3A_661 : i32
          %get3A_663 = arith.index_cast %add3A_662 : i32 to index
          %get3A_664 = tpu.vector_load %arg6[%get3A_663] {strides = array<i32>} : memref<3072xf32, #tpu.memory_space<vmem>>, vector<16xf32>,
          %add3A_665 = arith.constant 24 : i32
          %add3A_666 = arith.addi %add3A_665, %scan3A_469 : i32
          %mul3A_667 = arith.constant 96 : i32
          %mul3A_668 = arith.muli %add3A_666, %mul3A_667 : i32
          %add3A_669 = arith.constant 32 : i32
          %add3A_670 = arith.addi %mul3A_668, %add3A_669 : i32
          %get3A_671 = arith.index_cast %add3A_670 : i32 to index
          %get3A_672 = tpu.vector_load %arg6[%get3A_671] {strides = array<i32>} : memref<3072xf32, #tpu.memory_space<vmem>>, vector<16xf32>,
          %max3A_673 = arith.maximumf %max3A_607, %get3A_656 : vector<16xf32>
          %min3A_674 = arith.minimumf %max3A_607, %get3A_656 : vector<16xf32>
          %max3A_675 = arith.maximumf %max3A_610, %get3A_664 : vector<16xf32>
          %max3A_676 = arith.maximumf %min3A_674, %max3A_675 : vector<16xf32>
          %min3A_677 = arith.minimumf %min3A_674, %max3A_675 : vector<16xf32>
          %min3A_678 = arith.minimumf %max3A_610, %get3A_664 : vector<16xf32>
          %max3A_679 = arith.maximumf %max3A_615, %get3A_672 : vector<16xf32>
          %max3A_680 = arith.maximumf %min3A_678, %max3A_679 : vector<16xf32>
          %max3A_681 = arith.maximumf %min3A_677, %max3A_680 : vector<16xf32>
          %add3A_682 = arith.constant 24 : i32
          %add3A_683 = arith.addi %add3A_682, %scan3A_469 : i32
          %mul3A_684 = arith.constant 96 : i32
          %mul3A_685 = arith.muli %add3A_683, %mul3A_684 : i32
          %add3A_686 = arith.constant 48 : i32
          %add3A_687 = arith.addi %mul3A_685, %add3A_686 : i32
          %get3A_688 = arith.index_cast %add3A_687 : i32 to index
          %get3A_689 = tpu.vector_load %arg6[%get3A_688] {strides = array<i32>} : memref<3072xf32, #tpu.memory_space<vmem>>, vector<16xf32>,
          %add3A_690 = arith.constant 24 : i32
          %add3A_691 = arith.addi %add3A_690, %scan3A_469 : i32
          %mul3A_692 = arith.constant 96 : i32
          %mul3A_693 = arith.muli %add3A_691, %mul3A_692 : i32
          %add3A_694 = arith.constant 64 : i32
          %add3A_695 = arith.addi %mul3A_693, %add3A_694 : i32
          %get3A_696 = arith.index_cast %add3A_695 : i32 to index
          %get3A_697 = tpu.vector_load %arg6[%get3A_696] {strides = array<i32>} : memref<3072xf32, #tpu.memory_space<vmem>>, vector<16xf32>,
          %add3A_698 = arith.constant 24 : i32
          %add3A_699 = arith.addi %add3A_698, %scan3A_469 : i32
          %mul3A_700 = arith.constant 96 : i32
          %mul3A_701 = arith.muli %add3A_699, %mul3A_700 : i32
          %add3A_702 = arith.constant 80 : i32
          %add3A_703 = arith.addi %mul3A_701, %add3A_702 : i32
          %get3A_704 = arith.index_cast %add3A_703 : i32 to index
          %get3A_705 = tpu.vector_load %arg6[%get3A_704] {strides = array<i32>} : memref<3072xf32, #tpu.memory_space<vmem>>, vector<16xf32>,
          %min3A_706 = arith.minimumf %min3A_640, %get3A_689 : vector<16xf32>
          %max3A_707 = arith.maximumf %min3A_640, %get3A_689 : vector<16xf32>
          %min3A_708 = arith.minimumf %min3A_643, %get3A_697 : vector<16xf32>
          %min3A_709 = arith.minimumf %max3A_707, %min3A_708 : vector<16xf32>
          %max3A_710 = arith.maximumf %max3A_707, %min3A_708 : vector<16xf32>
          %max3A_711 = arith.maximumf %min3A_643, %get3A_697 : vector<16xf32>
          %min3A_712 = arith.minimumf %min3A_648, %get3A_705 : vector<16xf32>
          %min3A_713 = arith.minimumf %max3A_711, %min3A_712 : vector<16xf32>
          %min3A_714 = arith.minimumf %max3A_710, %min3A_713 : vector<16xf32>
          %add3A_715 = arith.addf %max3A_673, %max3A_676 : vector<16xf32>
          %add3A_716 = arith.addf %add3A_715, %max3A_681 : vector<16xf32>
          %div3A_717 = arith.constant 3.000000e+00 : f32
          %div3A_718 = vector.broadcast %div3A_717 : f32 to vector<16xf32>
          %div3A_719 = arith.divf %add3A_716, %div3A_718 : vector<16xf32>
          %add3A_720 = arith.addf %min3A_706, %min3A_709 : vector<16xf32>
          %add3A_721 = arith.addf %add3A_720, %min3A_714 : vector<16xf32>
          %mul3A_722 = arith.constant 0.233333334 : f32
          %mul3A_723 = vector.broadcast %mul3A_722 : f32 to vector<16xf32>
          %mul3A_724 = arith.mulf %add3A_721, %mul3A_723 : vector<16xf32>
          %add3A_725 = arith.addf %div3A_719, %mul3A_724 : vector<16xf32>
          %mul3A_726 = arith.constant 5.000000e-01 : f32
          %mul3A_727 = vector.broadcast %mul3A_726 : f32 to vector<16xf32>
          %mul3A_728 = arith.mulf %add3A_725, %mul3A_727 : vector<16xf32>
          %mul3A_729 = arith.constant 128 : i32
          %mul3A_730 = arith.muli %select_n3A_461, %mul3A_729 : i32
          %mul3A_731 = arith.constant 16 : i32
          %mul3A_732 = arith.muli %scan3A_469, %mul3A_731 : i32
          %add3A_733 = arith.addi %mul3A_730, %mul3A_732 : i32
          %swap3A = arith.index_cast %add3A_733 : i32 to index
          %swap3A_734 = tpu.vector_load %arg7[%swap3A] {strides = array<i32>} : memref<768xf32, #tpu.memory_space<vmem>>, vector<16xf32>,
          tpu.vector_store %arg7[%swap3A], %mul3A_728 {strides = array<i32>} : memref<768xf32, #tpu.memory_space<vmem>>, vector<16xf32>,
          %scan3A_735 = arith.constant 0 : i32
          scf.yield %scan3A_735 : i32
        }
        %scan3A_468 = arith.constant 8 : i32
      } else {
      }
      %add3A_287 = arith.constant 2 : i32
      %add3A_288 = arith.addi %mul3A_55, %add3A_287 : i32
      %lt3A_289 = arith.constant 24 : i32
      %lt3A_290 = arith.cmpi slt, %add3A_288, %lt3A_289 : i32
      %convert_element_type3A_291 = arith.extui %lt3A_290 : i1 to i32
      %cond3A_292 = arith.constant 0 : i32
      %cond3A_293 = arith.cmpi ne, %convert_element_type3A_291, %cond3A_292 : i32
      scf.if %cond3A_293 {
        %add3A_438 = arith.constant 2 : i32
        %add3A_439 = arith.addi %mul3A_55, %add3A_438 : i32
        %mul3A_440 = arith.constant 6 : i32
        %mul3A_441 = arith.muli %add3A, %mul3A_440 : i32
        %jit3A_442 = arith.constant 4 : i32
        %div3A_443 = arith.divsi %add3A_439, %jit3A_442 : i32
        %sign3A_444 = arith.constant 0 : i32
        %sign3A_445 = arith.cmpi sgt, %add3A_439, %sign3A_444 : i32
        %sign3A_446 = arith.extui %sign3A_445 : i1 to i32
        %sign3A_447 = arith.constant 0 : i32
        %sign3A_448 = arith.cmpi slt, %add3A_439, %sign3A_447 : i32
        %sign3A_449 = arith.extui %sign3A_448 : i1 to i32
        %sign3A_450 = arith.subi %sign3A_446, %sign3A_449 : i32
        %sign3A_451 = arith.constant 0 : i32
        %sign3A_452 = arith.cmpi sgt, %jit3A_442, %sign3A_451 : i32
        %sign3A_453 = arith.extui %sign3A_452 : i1 to i32
        %sign3A_454 = arith.constant 0 : i32
        %sign3A_455 = arith.cmpi slt, %jit3A_442, %sign3A_454 : i32
        %sign3A_456 = arith.extui %sign3A_455 : i1 to i32
        %sign3A_457 = arith.subi %sign3A_453, %sign3A_456 : i32
        %ne3A_458 = arith.cmpi ne, %sign3A_450, %sign3A_457 : i32
        %rem3A_459 = arith.remsi %add3A_439, %jit3A_442 : i32
        %ne3A_460 = arith.constant 0 : i32
        %ne3A_461 = arith.cmpi ne, %rem3A_459, %ne3A_460 : i32
        %and3A_462 = arith.andi %ne3A_458, %ne3A_461 : i1
        %sub3A_463 = arith.constant 1 : i32
        %sub3A_464 = arith.subi %div3A_443, %sub3A_463 : i32
        %select_n3A_465 = arith.select %and3A_462, %sub3A_464, %div3A_443 : i32
        %add3A_466 = arith.addi %mul3A_441, %select_n3A_465 : i32
        %min3A_467 = arith.constant 191 : i32
        %min3A_468 = arith.minsi %add3A_466, %min3A_467 : i32
        %jit3A_469 = arith.constant 4 : i32
        %eq3A_470 = arith.constant 0 : i32
        %eq3A_471 = arith.cmpi eq, %jit3A_469, %eq3A_470 : i32
        %jit3A_472 = arith.constant 1 : i32
        %select_n3A_473 = arith.select %eq3A_471, %jit3A_472, %jit3A_469 : i32
        %rem3A_474 = arith.remsi %add3A_439, %select_n3A_473 : i32
        %ne3A_475 = arith.constant 0 : i32
        %ne3A_476 = arith.cmpi ne, %rem3A_474, %ne3A_475 : i32
        %lt3A_477 = arith.constant 0 : i32
        %lt3A_478 = arith.cmpi slt, %rem3A_474, %lt3A_477 : i32
        %lt3A_479 = arith.constant 0 : i32
        %lt3A_480 = arith.cmpi slt, %select_n3A_473, %lt3A_479 : i32
        %ne3A_481 = arith.xori %lt3A_478, %lt3A_480 : i1
        %and3A_482 = arith.andi %ne3A_481, %ne3A_476 : i1
        %add3A_483 = arith.addi %rem3A_474, %select_n3A_473 : i32
        %select_n3A_484 = arith.select %and3A_482, %add3A_483, %rem3A_474 : i32
        %jit3A_485 = arith.constant 6 : i32
        %div3A_486 = arith.divsi %min3A_468, %jit3A_485 : i32
        %sign3A_487 = arith.constant 0 : i32
        %sign3A_488 = arith.cmpi sgt, %min3A_468, %sign3A_487 : i32
        %sign3A_489 = arith.extui %sign3A_488 : i1 to i32
        %sign3A_490 = arith.constant 0 : i32
        %sign3A_491 = arith.cmpi slt, %min3A_468, %sign3A_490 : i32
        %sign3A_492 = arith.extui %sign3A_491 : i1 to i32
        %sign3A_493 = arith.subi %sign3A_489, %sign3A_492 : i32
        %sign3A_494 = arith.constant 0 : i32
        %sign3A_495 = arith.cmpi sgt, %jit3A_485, %sign3A_494 : i32
        %sign3A_496 = arith.extui %sign3A_495 : i1 to i32
        %sign3A_497 = arith.constant 0 : i32
        %sign3A_498 = arith.cmpi slt, %jit3A_485, %sign3A_497 : i32
        %sign3A_499 = arith.extui %sign3A_498 : i1 to i32
        %sign3A_500 = arith.subi %sign3A_496, %sign3A_499 : i32
        %ne3A_501 = arith.cmpi ne, %sign3A_493, %sign3A_500 : i32
        %rem3A_502 = arith.remsi %min3A_468, %jit3A_485 : i32
        %ne3A_503 = arith.constant 0 : i32
        %ne3A_504 = arith.cmpi ne, %rem3A_502, %ne3A_503 : i32
        %and3A_505 = arith.andi %ne3A_501, %ne3A_504 : i1
        %sub3A_506 = arith.constant 1 : i32
        %sub3A_507 = arith.subi %div3A_486, %sub3A_506 : i32
        %select_n3A_508 = arith.select %and3A_505, %sub3A_507, %div3A_486 : i32
        %jit3A_509 = arith.constant 6 : i32
        %eq3A_510 = arith.constant 0 : i32
        %eq3A_511 = arith.cmpi eq, %jit3A_509, %eq3A_510 : i32
        %jit3A_512 = arith.constant 1 : i32
        %select_n3A_513 = arith.select %eq3A_511, %jit3A_512, %jit3A_509 : i32
        %rem3A_514 = arith.remsi %min3A_468, %select_n3A_513 : i32
        %ne3A_515 = arith.constant 0 : i32
        %ne3A_516 = arith.cmpi ne, %rem3A_514, %ne3A_515 : i32
        %lt3A_517 = arith.constant 0 : i32
        %lt3A_518 = arith.cmpi slt, %rem3A_514, %lt3A_517 : i32
        %lt3A_519 = arith.constant 0 : i32
        %lt3A_520 = arith.cmpi slt, %select_n3A_513, %lt3A_519 : i32
        %ne3A_521 = arith.xori %lt3A_518, %lt3A_520 : i1
        %and3A_522 = arith.andi %ne3A_521, %ne3A_516 : i1
        %add3A_523 = arith.addi %rem3A_514, %select_n3A_513 : i32
        %select_n3A_524 = arith.select %and3A_522, %add3A_523, %rem3A_514 : i32
        %mul3A_525 = arith.constant 1024 : i32
        %mul3A_526 = arith.muli %select_n3A_508, %mul3A_525 : i32
        %mul3A_527 = arith.constant 256 : i32
        %mul3A_528 = arith.muli %select_n3A_484, %mul3A_527 : i32
        %add3A_529 = arith.addi %mul3A_526, %mul3A_528 : i32
        %mul3A_530 = arith.constant 128 : i32
        %mul3A_531 = arith.muli %select_n3A_524, %mul3A_530 : i32
        %dma_start3A_532 = tpu.memref_slice %arg2[%add3A_529, %mul3A_531] : memref<65536x768xf32, #tpu.memory_space<hbm>> -> memref<256x128xf32, #tpu.memory_space<hbm>>
        %dma_start3A_533 = tpu.memref_slice %arg2[%add3A_529, %mul3A_531] : memref<65536x768xf32, #tpu.memory_space<hbm>> -> memref<256x128xf32, #tpu.memory_space<hbm>>
        tpu.enqueue_dma source(%dma_start3A_533 : memref<256x128xf32, #tpu.memory_space<hbm>>) target(%arg4 : memref<256x128xf32, #tpu.memory_space<vmem>>) target_semaphore(%arg8 : memref<!tpu.dma_semaphore, #tpu.memory_space<semaphore_mem>>)
      } else {
      }
      %add3A_294 = arith.constant 1 : i32
      %add3A_295 = arith.addi %mul3A_55, %add3A_294 : i32
      %mul3A_296 = arith.constant 6 : i32
      %mul3A_297 = arith.muli %add3A, %mul3A_296 : i32
      %jit3A_298 = arith.constant 4 : i32
      %div3A_299 = arith.divsi %add3A_295, %jit3A_298 : i32
      %sign3A_300 = arith.constant 0 : i32
      %sign3A_301 = arith.cmpi sgt, %add3A_295, %sign3A_300 : i32
      %sign3A_302 = arith.extui %sign3A_301 : i1 to i32
      %sign3A_303 = arith.constant 0 : i32
      %sign3A_304 = arith.cmpi slt, %add3A_295, %sign3A_303 : i32
      %sign3A_305 = arith.extui %sign3A_304 : i1 to i32
      %sign3A_306 = arith.subi %sign3A_302, %sign3A_305 : i32
      %sign3A_307 = arith.constant 0 : i32
      %sign3A_308 = arith.cmpi sgt, %jit3A_298, %sign3A_307 : i32
      %sign3A_309 = arith.extui %sign3A_308 : i1 to i32
      %sign3A_310 = arith.constant 0 : i32
      %sign3A_311 = arith.cmpi slt, %jit3A_298, %sign3A_310 : i32
      %sign3A_312 = arith.extui %sign3A_311 : i1 to i32
      %sign3A_313 = arith.subi %sign3A_309, %sign3A_312 : i32
      %ne3A_314 = arith.cmpi ne, %sign3A_306, %sign3A_313 : i32
      %rem3A_315 = arith.remsi %add3A_295, %jit3A_298 : i32
      %ne3A_316 = arith.constant 0 : i32
      %ne3A_317 = arith.cmpi ne, %rem3A_315, %ne3A_316 : i32
      %and3A_318 = arith.andi %ne3A_314, %ne3A_317 : i1
      %sub3A_319 = arith.constant 1 : i32
      %sub3A_320 = arith.subi %div3A_299, %sub3A_319 : i32
      %select_n3A_321 = arith.select %and3A_318, %sub3A_320, %div3A_299 : i32
      %add3A_322 = arith.addi %mul3A_297, %select_n3A_321 : i32
      %min3A_323 = arith.constant 191 : i32
      %min3A_324 = arith.minsi %add3A_322, %min3A_323 : i32
      %jit3A_325 = arith.constant 4 : i32
      %eq3A_326 = arith.constant 0 : i32
      %eq3A_327 = arith.cmpi eq, %jit3A_325, %eq3A_326 : i32
      %jit3A_328 = arith.constant 1 : i32
      %select_n3A_329 = arith.select %eq3A_327, %jit3A_328, %jit3A_325 : i32
      %rem3A_330 = arith.remsi %add3A_295, %select_n3A_329 : i32
      %ne3A_331 = arith.constant 0 : i32
      %ne3A_332 = arith.cmpi ne, %rem3A_330, %ne3A_331 : i32
      %lt3A_333 = arith.constant 0 : i32
      %lt3A_334 = arith.cmpi slt, %rem3A_330, %lt3A_333 : i32
      %lt3A_335 = arith.constant 0 : i32
      %lt3A_336 = arith.cmpi slt, %select_n3A_329, %lt3A_335 : i32
      %ne3A_337 = arith.xori %lt3A_334, %lt3A_336 : i1
      %and3A_338 = arith.andi %ne3A_337, %ne3A_332 : i1
      %add3A_339 = arith.addi %rem3A_330, %select_n3A_329 : i32
      %select_n3A_340 = arith.select %and3A_338, %add3A_339, %rem3A_330 : i32
      %jit3A_341 = arith.constant 6 : i32
      %div3A_342 = arith.divsi %min3A_324, %jit3A_341 : i32
      %sign3A_343 = arith.constant 0 : i32
      %sign3A_344 = arith.cmpi sgt, %min3A_324, %sign3A_343 : i32
      %sign3A_345 = arith.extui %sign3A_344 : i1 to i32
      %sign3A_346 = arith.constant 0 : i32
      %sign3A_347 = arith.cmpi slt, %min3A_324, %sign3A_346 : i32
      %sign3A_348 = arith.extui %sign3A_347 : i1 to i32
      %sign3A_349 = arith.subi %sign3A_345, %sign3A_348 : i32
      %sign3A_350 = arith.constant 0 : i32
      %sign3A_351 = arith.cmpi sgt, %jit3A_341, %sign3A_350 : i32
      %sign3A_352 = arith.extui %sign3A_351 : i1 to i32
      %sign3A_353 = arith.constant 0 : i32
      %sign3A_354 = arith.cmpi slt, %jit3A_341, %sign3A_353 : i32
      %sign3A_355 = arith.extui %sign3A_354 : i1 to i32
      %sign3A_356 = arith.subi %sign3A_352, %sign3A_355 : i32
      %ne3A_357 = arith.cmpi ne, %sign3A_349, %sign3A_356 : i32
      %rem3A_358 = arith.remsi %min3A_324, %jit3A_341 : i32
      %ne3A_359 = arith.constant 0 : i32
      %ne3A_360 = arith.cmpi ne, %rem3A_358, %ne3A_359 : i32
      %and3A_361 = arith.andi %ne3A_357, %ne3A_360 : i1
      %sub3A_362 = arith.constant 1 : i32
      %sub3A_363 = arith.subi %div3A_342, %sub3A_362 : i32
      %select_n3A_364 = arith.select %and3A_361, %sub3A_363, %div3A_342 : i32
      %jit3A_365 = arith.constant 6 : i32
      %eq3A_366 = arith.constant 0 : i32
      %eq3A_367 = arith.cmpi eq, %jit3A_365, %eq3A_366 : i32
      %jit3A_368 = arith.constant 1 : i32
      %select_n3A_369 = arith.select %eq3A_367, %jit3A_368, %jit3A_365 : i32
      %rem3A_370 = arith.remsi %min3A_324, %select_n3A_369 : i32
      %ne3A_371 = arith.constant 0 : i32
      %ne3A_372 = arith.cmpi ne, %rem3A_370, %ne3A_371 : i32
      %lt3A_373 = arith.constant 0 : i32
      %lt3A_374 = arith.cmpi slt, %rem3A_370, %lt3A_373 : i32
      %lt3A_375 = arith.constant 0 : i32
      %lt3A_376 = arith.cmpi slt, %select_n3A_369, %lt3A_375 : i32
      %ne3A_377 = arith.xori %lt3A_374, %lt3A_376 : i1
      %and3A_378 = arith.andi %ne3A_377, %ne3A_372 : i1
      %add3A_379 = arith.addi %rem3A_370, %select_n3A_369 : i32
      %select_n3A_380 = arith.select %and3A_378, %add3A_379, %rem3A_370 : i32
      %mul3A_381 = arith.constant 1024 : i32
      %mul3A_382 = arith.muli %select_n3A_364, %mul3A_381 : i32
      %mul3A_383 = arith.constant 256 : i32
      %mul3A_384 = arith.muli %select_n3A_340, %mul3A_383 : i32
      %add3A_385 = arith.addi %mul3A_382, %mul3A_384 : i32
      %mul3A_386 = arith.constant 128 : i32
      %mul3A_387 = arith.muli %select_n3A_380, %mul3A_386 : i32
      %dma_wait3A_388 = tpu.memref_slice %arg2[%add3A_385, %mul3A_387] : memref<65536x768xf32, #tpu.memory_space<hbm>> -> memref<256x128xf32, #tpu.memory_space<hbm>>
      %dma_wait3A_389 = tpu.memref_slice %arg2[%add3A_385, %mul3A_387] : memref<65536x768xf32, #tpu.memory_space<hbm>> -> memref<256x128xf32, #tpu.memory_space<hbm>>
      tpu.wait_dma2 semaphore(%arg9 : memref<!tpu.dma_semaphore, #tpu.memory_space<semaphore_mem>>) src(%dma_wait3A_389 : memref<256x128xf32, #tpu.memory_space<hbm>>) dst(%arg5 : memref<256x128xf32, #tpu.memory_space<vmem>>)
      %add3A_390 = arith.constant 1 : i32
      %add3A_391 = arith.addi %mul3A_55, %add3A_390 : i32
      %jit3A_392 = arith.constant 4 : i32
      %eq3A_393 = arith.constant 0 : i32
      %eq3A_394 = arith.cmpi eq, %jit3A_392, %eq3A_393 : i32
      %jit3A_395 = arith.constant 1 : i32
      %select_n3A_396 = arith.select %eq3A_394, %jit3A_395, %jit3A_392 : i32
      %rem3A_397 = arith.remsi %add3A_391, %select_n3A_396 : i32
      %ne3A_398 = arith.constant 0 : i32
      %ne3A_399 = arith.cmpi ne, %rem3A_397, %ne3A_398 : i32
      %lt3A_400 = arith.constant 0 : i32
      %lt3A_401 = arith.cmpi slt, %rem3A_397, %lt3A_400 : i32
      %lt3A_402 = arith.constant 0 : i32
      %lt3A_403 = arith.cmpi slt, %select_n3A_396, %lt3A_402 : i32
      %ne3A_404 = arith.xori %lt3A_401, %lt3A_403 : i1
      %and3A_405 = arith.andi %ne3A_404, %ne3A_399 : i1
      %add3A_406 = arith.addi %rem3A_397, %select_n3A_396 : i32
      %select_n3A_407 = arith.select %and3A_405, %add3A_406, %rem3A_397 : i32
      %scan3A_408 = arith.constant 0 : i32
      %scan3A_409 = arith.constant 0 : i32
      %scan3A_410 = arith.constant 8 : i32
      %scan3A_411 = arith.addi %scan3A_409, %scan3A_410 : i32
      %scan3A_412 = arith.constant 1 : i32
      %scan3A_413 = scf.for %scan3A_438 = %scan3A_409 to %scan3A_411 step %scan3A_412 iter_args(%scan3A_439 = %scan3A_408) -> (i32)  : i32 {
        %mul3A_440 = arith.constant 16 : i32
        %mul3A_441 = arith.muli %scan3A_438, %mul3A_440 : i32
        %scan3A_442 = arith.constant 0 : i32
        %scan3A_443 = arith.constant 16 : i32
        %scan3A_444 = arith.addi %scan3A_442, %scan3A_443 : i32
        %scan3A_445 = arith.constant 1 : i32
        %scan3A_446:12 = scf.for %scan3A_492 = %scan3A_442 to %scan3A_444 step %scan3A_445 iter_args(%scan3A_493 = %broadcast_in_dim3A_1, %scan3A_494 = %broadcast_in_dim3A_1, %scan3A_495 = %broadcast_in_dim3A_1, %scan3A_496 = %broadcast_in_dim3A_3, %scan3A_497 = %broadcast_in_dim3A_3, %scan3A_498 = %broadcast_in_dim3A_3, %scan3A_499 = %broadcast_in_dim3A_1, %scan3A_500 = %broadcast_in_dim3A_1, %scan3A_501 = %broadcast_in_dim3A_1, %scan3A_502 = %broadcast_in_dim3A_3, %scan3A_503 = %broadcast_in_dim3A_3, %scan3A_504 = %broadcast_in_dim3A_3) -> (vector<16xf32>, vector<16xf32>, vector<16xf32>, vector<16xf32>, vector<16xf32>, vector<16xf32>, vector<16xf32>, vector<16xf32>, vector<16xf32>, vector<16xf32>, vector<16xf32>, vector<16xf32>)  : i32 {
          %mul3A_505 = arith.constant 16 : i32
          %mul3A_506 = arith.muli %scan3A_492, %mul3A_505 : i32
          %add3A_507 = arith.constant 0 : i32
          %add3A_508 = arith.addi %mul3A_506, %add3A_507 : i32
          %get3A = arith.index_cast %add3A_508 : i32 to index
          %get3A_509 = arith.index_cast %mul3A_441 : i32 to index
          %get3A_510 = tpu.vector_load %arg5[%get3A, %get3A_509] {strides = array<i32>} : memref<256x128xf32, #tpu.memory_space<vmem>>, vector<16xf32>,
          %add3A_511 = arith.constant 0 : i32
          %add3A_512 = arith.addi %mul3A_506, %add3A_511 : i32
          %add3A_513 = arith.constant 1 : i32
          %add3A_514 = arith.addi %add3A_512, %add3A_513 : i32
          %get3A_515 = arith.index_cast %add3A_514 : i32 to index
          %get3A_516 = arith.index_cast %mul3A_441 : i32 to index
          %get3A_517 = tpu.vector_load %arg5[%get3A_515, %get3A_516] {strides = array<i32>} : memref<256x128xf32, #tpu.memory_space<vmem>>, vector<16xf32>,
          %add3A_518 = arith.constant 0 : i32
          %add3A_519 = arith.addi %mul3A_506, %add3A_518 : i32
          %add3A_520 = arith.constant 2 : i32
          %add3A_521 = arith.addi %add3A_519, %add3A_520 : i32
          %get3A_522 = arith.index_cast %add3A_521 : i32 to index
          %get3A_523 = arith.index_cast %mul3A_441 : i32 to index
          %get3A_524 = tpu.vector_load %arg5[%get3A_522, %get3A_523] {strides = array<i32>} : memref<256x128xf32, #tpu.memory_space<vmem>>, vector<16xf32>,
          %add3A_525 = arith.constant 0 : i32
          %add3A_526 = arith.addi %mul3A_506, %add3A_525 : i32
          %add3A_527 = arith.constant 3 : i32
          %add3A_528 = arith.addi %add3A_526, %add3A_527 : i32
          %get3A_529 = arith.index_cast %add3A_528 : i32 to index
          %get3A_530 = arith.index_cast %mul3A_441 : i32 to index
          %get3A_531 = tpu.vector_load %arg5[%get3A_529, %get3A_530] {strides = array<i32>} : memref<256x128xf32, #tpu.memory_space<vmem>>, vector<16xf32>,
          %max3A_532 = arith.maximumf %get3A_510, %get3A_517 : vector<16xf32>
          %min3A_533 = arith.minimumf %get3A_510, %get3A_517 : vector<16xf32>
          %max3A_534 = arith.maximumf %get3A_524, %get3A_531 : vector<16xf32>
          %min3A_535 = arith.minimumf %get3A_524, %get3A_531 : vector<16xf32>
          %max3A_536 = arith.maximumf %max3A_532, %max3A_534 : vector<16xf32>
          %min3A_537 = arith.minimumf %max3A_532, %max3A_534 : vector<16xf32>
          %max3A_538 = arith.maximumf %min3A_533, %min3A_535 : vector<16xf32>
          %min3A_539 = arith.minimumf %min3A_533, %min3A_535 : vector<16xf32>
          %max3A_540 = arith.maximumf %min3A_537, %max3A_538 : vector<16xf32>
          %min3A_541 = arith.minimumf %min3A_537, %max3A_538 : vector<16xf32>
          %max3A_542 = arith.maximumf %scan3A_493, %max3A_536 : vector<16xf32>
          %min3A_543 = arith.minimumf %scan3A_493, %max3A_536 : vector<16xf32>
          %max3A_544 = arith.maximumf %scan3A_494, %max3A_540 : vector<16xf32>
          %max3A_545 = arith.maximumf %min3A_543, %max3A_544 : vector<16xf32>
          %min3A_546 = arith.minimumf %min3A_543, %max3A_544 : vector<16xf32>
          %min3A_547 = arith.minimumf %scan3A_494, %max3A_540 : vector<16xf32>
          %max3A_548 = arith.maximumf %scan3A_495, %min3A_541 : vector<16xf32>
          %max3A_549 = arith.maximumf %min3A_547, %max3A_548 : vector<16xf32>
          %max3A_550 = arith.maximumf %min3A_546, %max3A_549 : vector<16xf32>
          %min3A_551 = arith.minimumf %scan3A_496, %min3A_539 : vector<16xf32>
          %max3A_552 = arith.maximumf %scan3A_496, %min3A_539 : vector<16xf32>
          %min3A_553 = arith.minimumf %scan3A_497, %min3A_541 : vector<16xf32>
          %min3A_554 = arith.minimumf %max3A_552, %min3A_553 : vector<16xf32>
          %max3A_555 = arith.maximumf %max3A_552, %min3A_553 : vector<16xf32>
          %max3A_556 = arith.maximumf %scan3A_497, %min3A_541 : vector<16xf32>
          %min3A_557 = arith.minimumf %scan3A_498, %max3A_540 : vector<16xf32>
          %min3A_558 = arith.minimumf %max3A_556, %min3A_557 : vector<16xf32>
          %min3A_559 = arith.minimumf %max3A_555, %min3A_558 : vector<16xf32>
          %add3A_560 = arith.constant 0 : i32
          %add3A_561 = arith.addi %mul3A_506, %add3A_560 : i32
          %add3A_562 = arith.constant 4 : i32
          %add3A_563 = arith.addi %add3A_561, %add3A_562 : i32
          %get3A_564 = arith.index_cast %add3A_563 : i32 to index
          %get3A_565 = arith.index_cast %mul3A_441 : i32 to index
          %get3A_566 = tpu.vector_load %arg5[%get3A_564, %get3A_565] {strides = array<i32>} : memref<256x128xf32, #tpu.memory_space<vmem>>, vector<16xf32>,
          %add3A_567 = arith.constant 0 : i32
          %add3A_568 = arith.addi %mul3A_506, %add3A_567 : i32
          %add3A_569 = arith.constant 5 : i32
          %add3A_570 = arith.addi %add3A_568, %add3A_569 : i32
          %get3A_571 = arith.index_cast %add3A_570 : i32 to index
          %get3A_572 = arith.index_cast %mul3A_441 : i32 to index
          %get3A_573 = tpu.vector_load %arg5[%get3A_571, %get3A_572] {strides = array<i32>} : memref<256x128xf32, #tpu.memory_space<vmem>>, vector<16xf32>,
          %add3A_574 = arith.constant 0 : i32
          %add3A_575 = arith.addi %mul3A_506, %add3A_574 : i32
          %add3A_576 = arith.constant 6 : i32
          %add3A_577 = arith.addi %add3A_575, %add3A_576 : i32
          %get3A_578 = arith.index_cast %add3A_577 : i32 to index
          %get3A_579 = arith.index_cast %mul3A_441 : i32 to index
          %get3A_580 = tpu.vector_load %arg5[%get3A_578, %get3A_579] {strides = array<i32>} : memref<256x128xf32, #tpu.memory_space<vmem>>, vector<16xf32>,
          %add3A_581 = arith.constant 0 : i32
          %add3A_582 = arith.addi %mul3A_506, %add3A_581 : i32
          %add3A_583 = arith.constant 7 : i32
          %add3A_584 = arith.addi %add3A_582, %add3A_583 : i32
          %get3A_585 = arith.index_cast %add3A_584 : i32 to index
          %get3A_586 = arith.index_cast %mul3A_441 : i32 to index
          %get3A_587 = tpu.vector_load %arg5[%get3A_585, %get3A_586] {strides = array<i32>} : memref<256x128xf32, #tpu.memory_space<vmem>>, vector<16xf32>,
          %max3A_588 = arith.maximumf %get3A_566, %get3A_573 : vector<16xf32>
          %min3A_589 = arith.minimumf %get3A_566, %get3A_573 : vector<16xf32>
          %max3A_590 = arith.maximumf %get3A_580, %get3A_587 : vector<16xf32>
          %min3A_591 = arith.minimumf %get3A_580, %get3A_587 : vector<16xf32>
          %max3A_592 = arith.maximumf %max3A_588, %max3A_590 : vector<16xf32>
          %min3A_593 = arith.minimumf %max3A_588, %max3A_590 : vector<16xf32>
          %max3A_594 = arith.maximumf %min3A_589, %min3A_591 : vector<16xf32>
          %min3A_595 = arith.minimumf %min3A_589, %min3A_591 : vector<16xf32>
          %max3A_596 = arith.maximumf %min3A_593, %max3A_594 : vector<16xf32>
          %min3A_597 = arith.minimumf %min3A_593, %max3A_594 : vector<16xf32>
          %max3A_598 = arith.maximumf %scan3A_499, %max3A_592 : vector<16xf32>
          %min3A_599 = arith.minimumf %scan3A_499, %max3A_592 : vector<16xf32>
          %max3A_600 = arith.maximumf %scan3A_500, %max3A_596 : vector<16xf32>
          %max3A_601 = arith.maximumf %min3A_599, %max3A_600 : vector<16xf32>
          %min3A_602 = arith.minimumf %min3A_599, %max3A_600 : vector<16xf32>
          %min3A_603 = arith.minimumf %scan3A_500, %max3A_596 : vector<16xf32>
          %max3A_604 = arith.maximumf %scan3A_501, %min3A_597 : vector<16xf32>
          %max3A_605 = arith.maximumf %min3A_603, %max3A_604 : vector<16xf32>
          %max3A_606 = arith.maximumf %min3A_602, %max3A_605 : vector<16xf32>
          %min3A_607 = arith.minimumf %scan3A_502, %min3A_595 : vector<16xf32>
          %max3A_608 = arith.maximumf %scan3A_502, %min3A_595 : vector<16xf32>
          %min3A_609 = arith.minimumf %scan3A_503, %min3A_597 : vector<16xf32>
          %min3A_610 = arith.minimumf %max3A_608, %min3A_609 : vector<16xf32>
          %max3A_611 = arith.maximumf %max3A_608, %min3A_609 : vector<16xf32>
          %max3A_612 = arith.maximumf %scan3A_503, %min3A_597 : vector<16xf32>
          %min3A_613 = arith.minimumf %scan3A_504, %max3A_596 : vector<16xf32>
          %min3A_614 = arith.minimumf %max3A_612, %min3A_613 : vector<16xf32>
          %min3A_615 = arith.minimumf %max3A_611, %min3A_614 : vector<16xf32>
          %add3A_616 = arith.constant 8 : i32
          %add3A_617 = arith.addi %mul3A_506, %add3A_616 : i32
          %get3A_618 = arith.index_cast %add3A_617 : i32 to index
          %get3A_619 = arith.index_cast %mul3A_441 : i32 to index
          %get3A_620 = tpu.vector_load %arg5[%get3A_618, %get3A_619] {strides = array<i32>} : memref<256x128xf32, #tpu.memory_space<vmem>>, vector<16xf32>,
          %add3A_621 = arith.constant 8 : i32
          %add3A_622 = arith.addi %mul3A_506, %add3A_621 : i32
          %add3A_623 = arith.constant 1 : i32
          %add3A_624 = arith.addi %add3A_622, %add3A_623 : i32
          %get3A_625 = arith.index_cast %add3A_624 : i32 to index
          %get3A_626 = arith.index_cast %mul3A_441 : i32 to index
          %get3A_627 = tpu.vector_load %arg5[%get3A_625, %get3A_626] {strides = array<i32>} : memref<256x128xf32, #tpu.memory_space<vmem>>, vector<16xf32>,
          %add3A_628 = arith.constant 8 : i32
          %add3A_629 = arith.addi %mul3A_506, %add3A_628 : i32
          %add3A_630 = arith.constant 2 : i32
          %add3A_631 = arith.addi %add3A_629, %add3A_630 : i32
          %get3A_632 = arith.index_cast %add3A_631 : i32 to index
          %get3A_633 = arith.index_cast %mul3A_441 : i32 to index
          %get3A_634 = tpu.vector_load %arg5[%get3A_632, %get3A_633] {strides = array<i32>} : memref<256x128xf32, #tpu.memory_space<vmem>>, vector<16xf32>,
          %add3A_635 = arith.constant 8 : i32
          %add3A_636 = arith.addi %mul3A_506, %add3A_635 : i32
          %add3A_637 = arith.constant 3 : i32
          %add3A_638 = arith.addi %add3A_636, %add3A_637 : i32
          %get3A_639 = arith.index_cast %add3A_638 : i32 to index
          %get3A_640 = arith.index_cast %mul3A_441 : i32 to index
          %get3A_641 = tpu.vector_load %arg5[%get3A_639, %get3A_640] {strides = array<i32>} : memref<256x128xf32, #tpu.memory_space<vmem>>, vector<16xf32>,
          %max3A_642 = arith.maximumf %get3A_620, %get3A_627 : vector<16xf32>
          %min3A_643 = arith.minimumf %get3A_620, %get3A_627 : vector<16xf32>
          %max3A_644 = arith.maximumf %get3A_634, %get3A_641 : vector<16xf32>
          %min3A_645 = arith.minimumf %get3A_634, %get3A_641 : vector<16xf32>
          %max3A_646 = arith.maximumf %max3A_642, %max3A_644 : vector<16xf32>
          %min3A_647 = arith.minimumf %max3A_642, %max3A_644 : vector<16xf32>
          %max3A_648 = arith.maximumf %min3A_643, %min3A_645 : vector<16xf32>
          %min3A_649 = arith.minimumf %min3A_643, %min3A_645 : vector<16xf32>
          %max3A_650 = arith.maximumf %min3A_647, %max3A_648 : vector<16xf32>
          %min3A_651 = arith.minimumf %min3A_647, %max3A_648 : vector<16xf32>
          %max3A_652 = arith.maximumf %max3A_542, %max3A_646 : vector<16xf32>
          %min3A_653 = arith.minimumf %max3A_542, %max3A_646 : vector<16xf32>
          %max3A_654 = arith.maximumf %max3A_545, %max3A_650 : vector<16xf32>
          %max3A_655 = arith.maximumf %min3A_653, %max3A_654 : vector<16xf32>
          %min3A_656 = arith.minimumf %min3A_653, %max3A_654 : vector<16xf32>
          %min3A_657 = arith.minimumf %max3A_545, %max3A_650 : vector<16xf32>
          %max3A_658 = arith.maximumf %max3A_550, %min3A_651 : vector<16xf32>
          %max3A_659 = arith.maximumf %min3A_657, %max3A_658 : vector<16xf32>
          %max3A_660 = arith.maximumf %min3A_656, %max3A_659 : vector<16xf32>
          %min3A_661 = arith.minimumf %min3A_551, %min3A_649 : vector<16xf32>
          %max3A_662 = arith.maximumf %min3A_551, %min3A_649 : vector<16xf32>
          %min3A_663 = arith.minimumf %min3A_554, %min3A_651 : vector<16xf32>
          %min3A_664 = arith.minimumf %max3A_662, %min3A_663 : vector<16xf32>
          %max3A_665 = arith.maximumf %max3A_662, %min3A_663 : vector<16xf32>
          %max3A_666 = arith.maximumf %min3A_554, %min3A_651 : vector<16xf32>
          %min3A_667 = arith.minimumf %min3A_559, %max3A_650 : vector<16xf32>
          %min3A_668 = arith.minimumf %max3A_666, %min3A_667 : vector<16xf32>
          %min3A_669 = arith.minimumf %max3A_665, %min3A_668 : vector<16xf32>
          %add3A_670 = arith.constant 8 : i32
          %add3A_671 = arith.addi %mul3A_506, %add3A_670 : i32
          %add3A_672 = arith.constant 4 : i32
          %add3A_673 = arith.addi %add3A_671, %add3A_672 : i32
          %get3A_674 = arith.index_cast %add3A_673 : i32 to index
          %get3A_675 = arith.index_cast %mul3A_441 : i32 to index
          %get3A_676 = tpu.vector_load %arg5[%get3A_674, %get3A_675] {strides = array<i32>} : memref<256x128xf32, #tpu.memory_space<vmem>>, vector<16xf32>,
          %add3A_677 = arith.constant 8 : i32
          %add3A_678 = arith.addi %mul3A_506, %add3A_677 : i32
          %add3A_679 = arith.constant 5 : i32
          %add3A_680 = arith.addi %add3A_678, %add3A_679 : i32
          %get3A_681 = arith.index_cast %add3A_680 : i32 to index
          %get3A_682 = arith.index_cast %mul3A_441 : i32 to index
          %get3A_683 = tpu.vector_load %arg5[%get3A_681, %get3A_682] {strides = array<i32>} : memref<256x128xf32, #tpu.memory_space<vmem>>, vector<16xf32>,
          %add3A_684 = arith.constant 8 : i32
          %add3A_685 = arith.addi %mul3A_506, %add3A_684 : i32
          %add3A_686 = arith.constant 6 : i32
          %add3A_687 = arith.addi %add3A_685, %add3A_686 : i32
          %get3A_688 = arith.index_cast %add3A_687 : i32 to index
          %get3A_689 = arith.index_cast %mul3A_441 : i32 to index
          %get3A_690 = tpu.vector_load %arg5[%get3A_688, %get3A_689] {strides = array<i32>} : memref<256x128xf32, #tpu.memory_space<vmem>>, vector<16xf32>,
          %add3A_691 = arith.constant 8 : i32
          %add3A_692 = arith.addi %mul3A_506, %add3A_691 : i32
          %add3A_693 = arith.constant 7 : i32
          %add3A_694 = arith.addi %add3A_692, %add3A_693 : i32
          %get3A_695 = arith.index_cast %add3A_694 : i32 to index
          %get3A_696 = arith.index_cast %mul3A_441 : i32 to index
          %get3A_697 = tpu.vector_load %arg5[%get3A_695, %get3A_696] {strides = array<i32>} : memref<256x128xf32, #tpu.memory_space<vmem>>, vector<16xf32>,
          %max3A_698 = arith.maximumf %get3A_676, %get3A_683 : vector<16xf32>
          %min3A_699 = arith.minimumf %get3A_676, %get3A_683 : vector<16xf32>
          %max3A_700 = arith.maximumf %get3A_690, %get3A_697 : vector<16xf32>
          %min3A_701 = arith.minimumf %get3A_690, %get3A_697 : vector<16xf32>
          %max3A_702 = arith.maximumf %max3A_698, %max3A_700 : vector<16xf32>
          %min3A_703 = arith.minimumf %max3A_698, %max3A_700 : vector<16xf32>
          %max3A_704 = arith.maximumf %min3A_699, %min3A_701 : vector<16xf32>
          %min3A_705 = arith.minimumf %min3A_699, %min3A_701 : vector<16xf32>
          %max3A_706 = arith.maximumf %min3A_703, %max3A_704 : vector<16xf32>
          %min3A_707 = arith.minimumf %min3A_703, %max3A_704 : vector<16xf32>
          %max3A_708 = arith.maximumf %max3A_598, %max3A_702 : vector<16xf32>
          %min3A_709 = arith.minimumf %max3A_598, %max3A_702 : vector<16xf32>
          %max3A_710 = arith.maximumf %max3A_601, %max3A_706 : vector<16xf32>
          %max3A_711 = arith.maximumf %min3A_709, %max3A_710 : vector<16xf32>
          %min3A_712 = arith.minimumf %min3A_709, %max3A_710 : vector<16xf32>
          %min3A_713 = arith.minimumf %max3A_601, %max3A_706 : vector<16xf32>
          %max3A_714 = arith.maximumf %max3A_606, %min3A_707 : vector<16xf32>
          %max3A_715 = arith.maximumf %min3A_713, %max3A_714 : vector<16xf32>
          %max3A_716 = arith.maximumf %min3A_712, %max3A_715 : vector<16xf32>
          %min3A_717 = arith.minimumf %min3A_607, %min3A_705 : vector<16xf32>
          %max3A_718 = arith.maximumf %min3A_607, %min3A_705 : vector<16xf32>
          %min3A_719 = arith.minimumf %min3A_610, %min3A_707 : vector<16xf32>
          %min3A_720 = arith.minimumf %max3A_718, %min3A_719 : vector<16xf32>
          %max3A_721 = arith.maximumf %max3A_718, %min3A_719 : vector<16xf32>
          %max3A_722 = arith.maximumf %min3A_610, %min3A_707 : vector<16xf32>
          %min3A_723 = arith.minimumf %min3A_615, %max3A_706 : vector<16xf32>
          %min3A_724 = arith.minimumf %max3A_722, %min3A_723 : vector<16xf32>
          %min3A_725 = arith.minimumf %max3A_721, %min3A_724 : vector<16xf32>
          scf.yield %max3A_652, %max3A_655, %max3A_660, %min3A_661, %min3A_664, %min3A_669, %max3A_708, %max3A_711, %max3A_716, %min3A_717, %min3A_720, %min3A_725 : vector<16xf32>, vector<16xf32>, vector<16xf32>, vector<16xf32>, vector<16xf32>, vector<16xf32>, vector<16xf32>, vector<16xf32>, vector<16xf32>, vector<16xf32>, vector<16xf32>, vector<16xf32>
        }
        %scan3A_447 = arith.constant 16 : i32
        %max3A = arith.maximumf %scan3A_446#0, %scan3A_446#6 : vector<16xf32>
        %min3A_448 = arith.minimumf %scan3A_446#0, %scan3A_446#6 : vector<16xf32>
        %max3A_449 = arith.maximumf %scan3A_446#1, %scan3A_446#7 : vector<16xf32>
        %max3A_450 = arith.maximumf %min3A_448, %max3A_449 : vector<16xf32>
        %min3A_451 = arith.minimumf %min3A_448, %max3A_449 : vector<16xf32>
        %min3A_452 = arith.minimumf %scan3A_446#1, %scan3A_446#7 : vector<16xf32>
        %max3A_453 = arith.maximumf %scan3A_446#2, %scan3A_446#8 : vector<16xf32>
        %max3A_454 = arith.maximumf %min3A_452, %max3A_453 : vector<16xf32>
        %max3A_455 = arith.maximumf %min3A_451, %max3A_454 : vector<16xf32>
        %min3A_456 = arith.minimumf %scan3A_446#3, %scan3A_446#9 : vector<16xf32>
        %max3A_457 = arith.maximumf %scan3A_446#3, %scan3A_446#9 : vector<16xf32>
        %min3A_458 = arith.minimumf %scan3A_446#4, %scan3A_446#10 : vector<16xf32>
        %min3A_459 = arith.minimumf %max3A_457, %min3A_458 : vector<16xf32>
        %max3A_460 = arith.maximumf %max3A_457, %min3A_458 : vector<16xf32>
        %max3A_461 = arith.maximumf %scan3A_446#4, %scan3A_446#10 : vector<16xf32>
        %min3A_462 = arith.minimumf %scan3A_446#5, %scan3A_446#11 : vector<16xf32>
        %min3A_463 = arith.minimumf %max3A_461, %min3A_462 : vector<16xf32>
        %min3A_464 = arith.minimumf %max3A_460, %min3A_463 : vector<16xf32>
        %mul3A_465 = arith.constant 8 : i32
        %mul3A_466 = arith.muli %select_n3A_407, %mul3A_465 : i32
        %add3A_467 = arith.addi %mul3A_466, %scan3A_438 : i32
        %mul3A_468 = arith.constant 96 : i32
        %mul3A_469 = arith.muli %add3A_467, %mul3A_468 : i32
        %swap3A = arith.index_cast %mul3A_469 : i32 to index
        %swap3A_470 = tpu.vector_load %arg6[%swap3A] {strides = array<i32>} : memref<3072xf32, #tpu.memory_space<vmem>>, vector<16xf32>,
        tpu.vector_store %arg6[%swap3A], %max3A {strides = array<i32>} : memref<3072xf32, #tpu.memory_space<vmem>>, vector<16xf32>,
        %add3A_471 = arith.constant 16 : i32
        %add3A_472 = arith.addi %mul3A_469, %add3A_471 : i32
        %swap3A_473 = arith.index_cast %add3A_472 : i32 to index
        %swap3A_474 = tpu.vector_load %arg6[%swap3A_473] {strides = array<i32>} : memref<3072xf32, #tpu.memory_space<vmem>>, vector<16xf32>,
        tpu.vector_store %arg6[%swap3A_473], %max3A_450 {strides = array<i32>} : memref<3072xf32, #tpu.memory_space<vmem>>, vector<16xf32>,
        %add3A_475 = arith.constant 32 : i32
        %add3A_476 = arith.addi %mul3A_469, %add3A_475 : i32
        %swap3A_477 = arith.index_cast %add3A_476 : i32 to index
        %swap3A_478 = tpu.vector_load %arg6[%swap3A_477] {strides = array<i32>} : memref<3072xf32, #tpu.memory_space<vmem>>, vector<16xf32>,
        tpu.vector_store %arg6[%swap3A_477], %max3A_455 {strides = array<i32>} : memref<3072xf32, #tpu.memory_space<vmem>>, vector<16xf32>,
        %add3A_479 = arith.constant 48 : i32
        %add3A_480 = arith.addi %mul3A_469, %add3A_479 : i32
        %swap3A_481 = arith.index_cast %add3A_480 : i32 to index
        %swap3A_482 = tpu.vector_load %arg6[%swap3A_481] {strides = array<i32>} : memref<3072xf32, #tpu.memory_space<vmem>>, vector<16xf32>,
        tpu.vector_store %arg6[%swap3A_481], %min3A_456 {strides = array<i32>} : memref<3072xf32, #tpu.memory_space<vmem>>, vector<16xf32>,
        %add3A_483 = arith.constant 64 : i32
        %add3A_484 = arith.addi %mul3A_469, %add3A_483 : i32
        %swap3A_485 = arith.index_cast %add3A_484 : i32 to index
        %swap3A_486 = tpu.vector_load %arg6[%swap3A_485] {strides = array<i32>} : memref<3072xf32, #tpu.memory_space<vmem>>, vector<16xf32>,
        tpu.vector_store %arg6[%swap3A_485], %min3A_459 {strides = array<i32>} : memref<3072xf32, #tpu.memory_space<vmem>>, vector<16xf32>,
        %add3A_487 = arith.constant 80 : i32
        %add3A_488 = arith.addi %mul3A_469, %add3A_487 : i32
        %swap3A_489 = arith.index_cast %add3A_488 : i32 to index
        %swap3A_490 = tpu.vector_load %arg6[%swap3A_489] {strides = array<i32>} : memref<3072xf32, #tpu.memory_space<vmem>>, vector<16xf32>,
        tpu.vector_store %arg6[%swap3A_489], %min3A_464 {strides = array<i32>} : memref<3072xf32, #tpu.memory_space<vmem>>, vector<16xf32>,
        %scan3A_491 = arith.constant 0 : i32
        scf.yield %scan3A_491 : i32
      }
      %scan3A_414 = arith.constant 8 : i32
      %add3A_415 = arith.constant 1 : i32
      %add3A_416 = arith.addi %mul3A_55, %add3A_415 : i32
      %jit3A_417 = arith.constant 4 : i32
      %eq3A_418 = arith.constant 0 : i32
      %eq3A_419 = arith.cmpi eq, %jit3A_417, %eq3A_418 : i32
      %jit3A_420 = arith.constant 1 : i32
      %select_n3A_421 = arith.select %eq3A_419, %jit3A_420, %jit3A_417 : i32
      %rem3A_422 = arith.remsi %add3A_416, %select_n3A_421 : i32
      %ne3A_423 = arith.constant 0 : i32
      %ne3A_424 = arith.cmpi ne, %rem3A_422, %ne3A_423 : i32
      %lt3A_425 = arith.constant 0 : i32
      %lt3A_426 = arith.cmpi slt, %rem3A_422, %lt3A_425 : i32
      %lt3A_427 = arith.constant 0 : i32
      %lt3A_428 = arith.cmpi slt, %select_n3A_421, %lt3A_427 : i32
      %ne3A_429 = arith.xori %lt3A_426, %lt3A_428 : i1
      %and3A_430 = arith.andi %ne3A_429, %ne3A_424 : i1
      %add3A_431 = arith.addi %rem3A_422, %select_n3A_421 : i32
      %select_n3A_432 = arith.select %and3A_430, %add3A_431, %rem3A_422 : i32
      %eq3A_433 = arith.constant 3 : i32
      %eq3A_434 = arith.cmpi eq, %select_n3A_432, %eq3A_433 : i32
      %convert_element_type3A_435 = arith.extui %eq3A_434 : i1 to i32
      %cond3A_436 = arith.constant 0 : i32
      %cond3A_437 = arith.cmpi ne, %convert_element_type3A_435, %cond3A_436 : i32
      scf.if %cond3A_437 {
        %add3A_438 = arith.constant 1 : i32
        %add3A_439 = arith.addi %mul3A_55, %add3A_438 : i32
        %jit3A_440 = arith.constant 4 : i32
        %div3A_441 = arith.divsi %add3A_439, %jit3A_440 : i32
        %sign3A_442 = arith.constant 0 : i32
        %sign3A_443 = arith.cmpi sgt, %add3A_439, %sign3A_442 : i32
        %sign3A_444 = arith.extui %sign3A_443 : i1 to i32
        %sign3A_445 = arith.constant 0 : i32
        %sign3A_446 = arith.cmpi slt, %add3A_439, %sign3A_445 : i32
        %sign3A_447 = arith.extui %sign3A_446 : i1 to i32
        %sign3A_448 = arith.subi %sign3A_444, %sign3A_447 : i32
        %sign3A_449 = arith.constant 0 : i32
        %sign3A_450 = arith.cmpi sgt, %jit3A_440, %sign3A_449 : i32
        %sign3A_451 = arith.extui %sign3A_450 : i1 to i32
        %sign3A_452 = arith.constant 0 : i32
        %sign3A_453 = arith.cmpi slt, %jit3A_440, %sign3A_452 : i32
        %sign3A_454 = arith.extui %sign3A_453 : i1 to i32
        %sign3A_455 = arith.subi %sign3A_451, %sign3A_454 : i32
        %ne3A_456 = arith.cmpi ne, %sign3A_448, %sign3A_455 : i32
        %rem3A_457 = arith.remsi %add3A_439, %jit3A_440 : i32
        %ne3A_458 = arith.constant 0 : i32
        %ne3A_459 = arith.cmpi ne, %rem3A_457, %ne3A_458 : i32
        %and3A_460 = arith.andi %ne3A_456, %ne3A_459 : i1
        %sub3A_461 = arith.constant 1 : i32
        %sub3A_462 = arith.subi %div3A_441, %sub3A_461 : i32
        %select_n3A_463 = arith.select %and3A_460, %sub3A_462, %div3A_441 : i32
        %scan3A_464 = arith.constant 0 : i32
        %scan3A_465 = arith.constant 0 : i32
        %scan3A_466 = arith.constant 8 : i32
        %scan3A_467 = arith.addi %scan3A_465, %scan3A_466 : i32
        %scan3A_468 = arith.constant 1 : i32
        %scan3A_469 = scf.for %scan3A_471 = %scan3A_465 to %scan3A_467 step %scan3A_468 iter_args(%scan3A_472 = %scan3A_464) -> (i32)  : i32 {
          %add3A_473 = arith.constant 0 : i32
          %add3A_474 = arith.addi %add3A_473, %scan3A_471 : i32
          %mul3A_475 = arith.constant 96 : i32
          %mul3A_476 = arith.muli %add3A_474, %mul3A_475 : i32
          %add3A_477 = arith.constant 0 : i32
          %add3A_478 = arith.addi %mul3A_476, %add3A_477 : i32
          %get3A = arith.index_cast %add3A_478 : i32 to index
          %get3A_479 = tpu.vector_load %arg6[%get3A] {strides = array<i32>} : memref<3072xf32, #tpu.memory_space<vmem>>, vector<16xf32>,
          %add3A_480 = arith.constant 0 : i32
          %add3A_481 = arith.addi %add3A_480, %scan3A_471 : i32
          %mul3A_482 = arith.constant 96 : i32
          %mul3A_483 = arith.muli %add3A_481, %mul3A_482 : i32
          %add3A_484 = arith.constant 16 : i32
          %add3A_485 = arith.addi %mul3A_483, %add3A_484 : i32
          %get3A_486 = arith.index_cast %add3A_485 : i32 to index
          %get3A_487 = tpu.vector_load %arg6[%get3A_486] {strides = array<i32>} : memref<3072xf32, #tpu.memory_space<vmem>>, vector<16xf32>,
          %add3A_488 = arith.constant 0 : i32
          %add3A_489 = arith.addi %add3A_488, %scan3A_471 : i32
          %mul3A_490 = arith.constant 96 : i32
          %mul3A_491 = arith.muli %add3A_489, %mul3A_490 : i32
          %add3A_492 = arith.constant 32 : i32
          %add3A_493 = arith.addi %mul3A_491, %add3A_492 : i32
          %get3A_494 = arith.index_cast %add3A_493 : i32 to index
          %get3A_495 = tpu.vector_load %arg6[%get3A_494] {strides = array<i32>} : memref<3072xf32, #tpu.memory_space<vmem>>, vector<16xf32>,
          %add3A_496 = arith.constant 0 : i32
          %add3A_497 = arith.addi %add3A_496, %scan3A_471 : i32
          %mul3A_498 = arith.constant 96 : i32
          %mul3A_499 = arith.muli %add3A_497, %mul3A_498 : i32
          %add3A_500 = arith.constant 48 : i32
          %add3A_501 = arith.addi %mul3A_499, %add3A_500 : i32
          %get3A_502 = arith.index_cast %add3A_501 : i32 to index
          %get3A_503 = tpu.vector_load %arg6[%get3A_502] {strides = array<i32>} : memref<3072xf32, #tpu.memory_space<vmem>>, vector<16xf32>,
          %add3A_504 = arith.constant 0 : i32
          %add3A_505 = arith.addi %add3A_504, %scan3A_471 : i32
          %mul3A_506 = arith.constant 96 : i32
          %mul3A_507 = arith.muli %add3A_505, %mul3A_506 : i32
          %add3A_508 = arith.constant 64 : i32
          %add3A_509 = arith.addi %mul3A_507, %add3A_508 : i32
          %get3A_510 = arith.index_cast %add3A_509 : i32 to index
          %get3A_511 = tpu.vector_load %arg6[%get3A_510] {strides = array<i32>} : memref<3072xf32, #tpu.memory_space<vmem>>, vector<16xf32>,
          %add3A_512 = arith.constant 0 : i32
          %add3A_513 = arith.addi %add3A_512, %scan3A_471 : i32
          %mul3A_514 = arith.constant 96 : i32
          %mul3A_515 = arith.muli %add3A_513, %mul3A_514 : i32
          %add3A_516 = arith.constant 80 : i32
          %add3A_517 = arith.addi %mul3A_515, %add3A_516 : i32
          %get3A_518 = arith.index_cast %add3A_517 : i32 to index
          %get3A_519 = tpu.vector_load %arg6[%get3A_518] {strides = array<i32>} : memref<3072xf32, #tpu.memory_space<vmem>>, vector<16xf32>,
          %add3A_520 = arith.constant 8 : i32
          %add3A_521 = arith.addi %add3A_520, %scan3A_471 : i32
          %mul3A_522 = arith.constant 96 : i32
          %mul3A_523 = arith.muli %add3A_521, %mul3A_522 : i32
          %add3A_524 = arith.constant 0 : i32
          %add3A_525 = arith.addi %mul3A_523, %add3A_524 : i32
          %get3A_526 = arith.index_cast %add3A_525 : i32 to index
          %get3A_527 = tpu.vector_load %arg6[%get3A_526] {strides = array<i32>} : memref<3072xf32, #tpu.memory_space<vmem>>, vector<16xf32>,
          %add3A_528 = arith.constant 8 : i32
          %add3A_529 = arith.addi %add3A_528, %scan3A_471 : i32
          %mul3A_530 = arith.constant 96 : i32
          %mul3A_531 = arith.muli %add3A_529, %mul3A_530 : i32
          %add3A_532 = arith.constant 16 : i32
          %add3A_533 = arith.addi %mul3A_531, %add3A_532 : i32
          %get3A_534 = arith.index_cast %add3A_533 : i32 to index
          %get3A_535 = tpu.vector_load %arg6[%get3A_534] {strides = array<i32>} : memref<3072xf32, #tpu.memory_space<vmem>>, vector<16xf32>,
          %add3A_536 = arith.constant 8 : i32
          %add3A_537 = arith.addi %add3A_536, %scan3A_471 : i32
          %mul3A_538 = arith.constant 96 : i32
          %mul3A_539 = arith.muli %add3A_537, %mul3A_538 : i32
          %add3A_540 = arith.constant 32 : i32
          %add3A_541 = arith.addi %mul3A_539, %add3A_540 : i32
          %get3A_542 = arith.index_cast %add3A_541 : i32 to index
          %get3A_543 = tpu.vector_load %arg6[%get3A_542] {strides = array<i32>} : memref<3072xf32, #tpu.memory_space<vmem>>, vector<16xf32>,
          %max3A = arith.maximumf %get3A_479, %get3A_527 : vector<16xf32>
          %min3A_544 = arith.minimumf %get3A_479, %get3A_527 : vector<16xf32>
          %max3A_545 = arith.maximumf %get3A_487, %get3A_535 : vector<16xf32>
          %max3A_546 = arith.maximumf %min3A_544, %max3A_545 : vector<16xf32>
          %min3A_547 = arith.minimumf %min3A_544, %max3A_545 : vector<16xf32>
          %min3A_548 = arith.minimumf %get3A_487, %get3A_535 : vector<16xf32>
          %max3A_549 = arith.maximumf %get3A_495, %get3A_543 : vector<16xf32>
          %max3A_550 = arith.maximumf %min3A_548, %max3A_549 : vector<16xf32>
          %max3A_551 = arith.maximumf %min3A_547, %max3A_550 : vector<16xf32>
          %add3A_552 = arith.constant 8 : i32
          %add3A_553 = arith.addi %add3A_552, %scan3A_471 : i32
          %mul3A_554 = arith.constant 96 : i32
          %mul3A_555 = arith.muli %add3A_553, %mul3A_554 : i32
          %add3A_556 = arith.constant 48 : i32
          %add3A_557 = arith.addi %mul3A_555, %add3A_556 : i32
          %get3A_558 = arith.index_cast %add3A_557 : i32 to index
          %get3A_559 = tpu.vector_load %arg6[%get3A_558] {strides = array<i32>} : memref<3072xf32, #tpu.memory_space<vmem>>, vector<16xf32>,
          %add3A_560 = arith.constant 8 : i32
          %add3A_561 = arith.addi %add3A_560, %scan3A_471 : i32
          %mul3A_562 = arith.constant 96 : i32
          %mul3A_563 = arith.muli %add3A_561, %mul3A_562 : i32
          %add3A_564 = arith.constant 64 : i32
          %add3A_565 = arith.addi %mul3A_563, %add3A_564 : i32
          %get3A_566 = arith.index_cast %add3A_565 : i32 to index
          %get3A_567 = tpu.vector_load %arg6[%get3A_566] {strides = array<i32>} : memref<3072xf32, #tpu.memory_space<vmem>>, vector<16xf32>,
          %add3A_568 = arith.constant 8 : i32
          %add3A_569 = arith.addi %add3A_568, %scan3A_471 : i32
          %mul3A_570 = arith.constant 96 : i32
          %mul3A_571 = arith.muli %add3A_569, %mul3A_570 : i32
          %add3A_572 = arith.constant 80 : i32
          %add3A_573 = arith.addi %mul3A_571, %add3A_572 : i32
          %get3A_574 = arith.index_cast %add3A_573 : i32 to index
          %get3A_575 = tpu.vector_load %arg6[%get3A_574] {strides = array<i32>} : memref<3072xf32, #tpu.memory_space<vmem>>, vector<16xf32>,
          %min3A_576 = arith.minimumf %get3A_503, %get3A_559 : vector<16xf32>
          %max3A_577 = arith.maximumf %get3A_503, %get3A_559 : vector<16xf32>
          %min3A_578 = arith.minimumf %get3A_511, %get3A_567 : vector<16xf32>
          %min3A_579 = arith.minimumf %max3A_577, %min3A_578 : vector<16xf32>
          %max3A_580 = arith.maximumf %max3A_577, %min3A_578 : vector<16xf32>
          %max3A_581 = arith.maximumf %get3A_511, %get3A_567 : vector<16xf32>
          %min3A_582 = arith.minimumf %get3A_519, %get3A_575 : vector<16xf32>
          %min3A_583 = arith.minimumf %max3A_581, %min3A_582 : vector<16xf32>
          %min3A_584 = arith.minimumf %max3A_580, %min3A_583 : vector<16xf32>
          %add3A_585 = arith.constant 16 : i32
          %add3A_586 = arith.addi %add3A_585, %scan3A_471 : i32
          %mul3A_587 = arith.constant 96 : i32
          %mul3A_588 = arith.muli %add3A_586, %mul3A_587 : i32
          %add3A_589 = arith.constant 0 : i32
          %add3A_590 = arith.addi %mul3A_588, %add3A_589 : i32
          %get3A_591 = arith.index_cast %add3A_590 : i32 to index
          %get3A_592 = tpu.vector_load %arg6[%get3A_591] {strides = array<i32>} : memref<3072xf32, #tpu.memory_space<vmem>>, vector<16xf32>,
          %add3A_593 = arith.constant 16 : i32
          %add3A_594 = arith.addi %add3A_593, %scan3A_471 : i32
          %mul3A_595 = arith.constant 96 : i32
          %mul3A_596 = arith.muli %add3A_594, %mul3A_595 : i32
          %add3A_597 = arith.constant 16 : i32
          %add3A_598 = arith.addi %mul3A_596, %add3A_597 : i32
          %get3A_599 = arith.index_cast %add3A_598 : i32 to index
          %get3A_600 = tpu.vector_load %arg6[%get3A_599] {strides = array<i32>} : memref<3072xf32, #tpu.memory_space<vmem>>, vector<16xf32>,
          %add3A_601 = arith.constant 16 : i32
          %add3A_602 = arith.addi %add3A_601, %scan3A_471 : i32
          %mul3A_603 = arith.constant 96 : i32
          %mul3A_604 = arith.muli %add3A_602, %mul3A_603 : i32
          %add3A_605 = arith.constant 32 : i32
          %add3A_606 = arith.addi %mul3A_604, %add3A_605 : i32
          %get3A_607 = arith.index_cast %add3A_606 : i32 to index
          %get3A_608 = tpu.vector_load %arg6[%get3A_607] {strides = array<i32>} : memref<3072xf32, #tpu.memory_space<vmem>>, vector<16xf32>,
          %max3A_609 = arith.maximumf %max3A, %get3A_592 : vector<16xf32>
          %min3A_610 = arith.minimumf %max3A, %get3A_592 : vector<16xf32>
          %max3A_611 = arith.maximumf %max3A_546, %get3A_600 : vector<16xf32>
          %max3A_612 = arith.maximumf %min3A_610, %max3A_611 : vector<16xf32>
          %min3A_613 = arith.minimumf %min3A_610, %max3A_611 : vector<16xf32>
          %min3A_614 = arith.minimumf %max3A_546, %get3A_600 : vector<16xf32>
          %max3A_615 = arith.maximumf %max3A_551, %get3A_608 : vector<16xf32>
          %max3A_616 = arith.maximumf %min3A_614, %max3A_615 : vector<16xf32>
          %max3A_617 = arith.maximumf %min3A_613, %max3A_616 : vector<16xf32>
          %add3A_618 = arith.constant 16 : i32
          %add3A_619 = arith.addi %add3A_618, %scan3A_471 : i32
          %mul3A_620 = arith.constant 96 : i32
          %mul3A_621 = arith.muli %add3A_619, %mul3A_620 : i32
          %add3A_622 = arith.constant 48 : i32
          %add3A_623 = arith.addi %mul3A_621, %add3A_622 : i32
          %get3A_624 = arith.index_cast %add3A_623 : i32 to index
          %get3A_625 = tpu.vector_load %arg6[%get3A_624] {strides = array<i32>} : memref<3072xf32, #tpu.memory_space<vmem>>, vector<16xf32>,
          %add3A_626 = arith.constant 16 : i32
          %add3A_627 = arith.addi %add3A_626, %scan3A_471 : i32
          %mul3A_628 = arith.constant 96 : i32
          %mul3A_629 = arith.muli %add3A_627, %mul3A_628 : i32
          %add3A_630 = arith.constant 64 : i32
          %add3A_631 = arith.addi %mul3A_629, %add3A_630 : i32
          %get3A_632 = arith.index_cast %add3A_631 : i32 to index
          %get3A_633 = tpu.vector_load %arg6[%get3A_632] {strides = array<i32>} : memref<3072xf32, #tpu.memory_space<vmem>>, vector<16xf32>,
          %add3A_634 = arith.constant 16 : i32
          %add3A_635 = arith.addi %add3A_634, %scan3A_471 : i32
          %mul3A_636 = arith.constant 96 : i32
          %mul3A_637 = arith.muli %add3A_635, %mul3A_636 : i32
          %add3A_638 = arith.constant 80 : i32
          %add3A_639 = arith.addi %mul3A_637, %add3A_638 : i32
          %get3A_640 = arith.index_cast %add3A_639 : i32 to index
          %get3A_641 = tpu.vector_load %arg6[%get3A_640] {strides = array<i32>} : memref<3072xf32, #tpu.memory_space<vmem>>, vector<16xf32>,
          %min3A_642 = arith.minimumf %min3A_576, %get3A_625 : vector<16xf32>
          %max3A_643 = arith.maximumf %min3A_576, %get3A_625 : vector<16xf32>
          %min3A_644 = arith.minimumf %min3A_579, %get3A_633 : vector<16xf32>
          %min3A_645 = arith.minimumf %max3A_643, %min3A_644 : vector<16xf32>
          %max3A_646 = arith.maximumf %max3A_643, %min3A_644 : vector<16xf32>
          %max3A_647 = arith.maximumf %min3A_579, %get3A_633 : vector<16xf32>
          %min3A_648 = arith.minimumf %min3A_584, %get3A_641 : vector<16xf32>
          %min3A_649 = arith.minimumf %max3A_647, %min3A_648 : vector<16xf32>
          %min3A_650 = arith.minimumf %max3A_646, %min3A_649 : vector<16xf32>
          %add3A_651 = arith.constant 24 : i32
          %add3A_652 = arith.addi %add3A_651, %scan3A_471 : i32
          %mul3A_653 = arith.constant 96 : i32
          %mul3A_654 = arith.muli %add3A_652, %mul3A_653 : i32
          %add3A_655 = arith.constant 0 : i32
          %add3A_656 = arith.addi %mul3A_654, %add3A_655 : i32
          %get3A_657 = arith.index_cast %add3A_656 : i32 to index
          %get3A_658 = tpu.vector_load %arg6[%get3A_657] {strides = array<i32>} : memref<3072xf32, #tpu.memory_space<vmem>>, vector<16xf32>,
          %add3A_659 = arith.constant 24 : i32
          %add3A_660 = arith.addi %add3A_659, %scan3A_471 : i32
          %mul3A_661 = arith.constant 96 : i32
          %mul3A_662 = arith.muli %add3A_660, %mul3A_661 : i32
          %add3A_663 = arith.constant 16 : i32
          %add3A_664 = arith.addi %mul3A_662, %add3A_663 : i32
          %get3A_665 = arith.index_cast %add3A_664 : i32 to index
          %get3A_666 = tpu.vector_load %arg6[%get3A_665] {strides = array<i32>} : memref<3072xf32, #tpu.memory_space<vmem>>, vector<16xf32>,
          %add3A_667 = arith.constant 24 : i32
          %add3A_668 = arith.addi %add3A_667, %scan3A_471 : i32
          %mul3A_669 = arith.constant 96 : i32
          %mul3A_670 = arith.muli %add3A_668, %mul3A_669 : i32
          %add3A_671 = arith.constant 32 : i32
          %add3A_672 = arith.addi %mul3A_670, %add3A_671 : i32
          %get3A_673 = arith.index_cast %add3A_672 : i32 to index
          %get3A_674 = tpu.vector_load %arg6[%get3A_673] {strides = array<i32>} : memref<3072xf32, #tpu.memory_space<vmem>>, vector<16xf32>,
          %max3A_675 = arith.maximumf %max3A_609, %get3A_658 : vector<16xf32>
          %min3A_676 = arith.minimumf %max3A_609, %get3A_658 : vector<16xf32>
          %max3A_677 = arith.maximumf %max3A_612, %get3A_666 : vector<16xf32>
          %max3A_678 = arith.maximumf %min3A_676, %max3A_677 : vector<16xf32>
          %min3A_679 = arith.minimumf %min3A_676, %max3A_677 : vector<16xf32>
          %min3A_680 = arith.minimumf %max3A_612, %get3A_666 : vector<16xf32>
          %max3A_681 = arith.maximumf %max3A_617, %get3A_674 : vector<16xf32>
          %max3A_682 = arith.maximumf %min3A_680, %max3A_681 : vector<16xf32>
          %max3A_683 = arith.maximumf %min3A_679, %max3A_682 : vector<16xf32>
          %add3A_684 = arith.constant 24 : i32
          %add3A_685 = arith.addi %add3A_684, %scan3A_471 : i32
          %mul3A_686 = arith.constant 96 : i32
          %mul3A_687 = arith.muli %add3A_685, %mul3A_686 : i32
          %add3A_688 = arith.constant 48 : i32
          %add3A_689 = arith.addi %mul3A_687, %add3A_688 : i32
          %get3A_690 = arith.index_cast %add3A_689 : i32 to index
          %get3A_691 = tpu.vector_load %arg6[%get3A_690] {strides = array<i32>} : memref<3072xf32, #tpu.memory_space<vmem>>, vector<16xf32>,
          %add3A_692 = arith.constant 24 : i32
          %add3A_693 = arith.addi %add3A_692, %scan3A_471 : i32
          %mul3A_694 = arith.constant 96 : i32
          %mul3A_695 = arith.muli %add3A_693, %mul3A_694 : i32
          %add3A_696 = arith.constant 64 : i32
          %add3A_697 = arith.addi %mul3A_695, %add3A_696 : i32
          %get3A_698 = arith.index_cast %add3A_697 : i32 to index
          %get3A_699 = tpu.vector_load %arg6[%get3A_698] {strides = array<i32>} : memref<3072xf32, #tpu.memory_space<vmem>>, vector<16xf32>,
          %add3A_700 = arith.constant 24 : i32
          %add3A_701 = arith.addi %add3A_700, %scan3A_471 : i32
          %mul3A_702 = arith.constant 96 : i32
          %mul3A_703 = arith.muli %add3A_701, %mul3A_702 : i32
          %add3A_704 = arith.constant 80 : i32
          %add3A_705 = arith.addi %mul3A_703, %add3A_704 : i32
          %get3A_706 = arith.index_cast %add3A_705 : i32 to index
          %get3A_707 = tpu.vector_load %arg6[%get3A_706] {strides = array<i32>} : memref<3072xf32, #tpu.memory_space<vmem>>, vector<16xf32>,
          %min3A_708 = arith.minimumf %min3A_642, %get3A_691 : vector<16xf32>
          %max3A_709 = arith.maximumf %min3A_642, %get3A_691 : vector<16xf32>
          %min3A_710 = arith.minimumf %min3A_645, %get3A_699 : vector<16xf32>
          %min3A_711 = arith.minimumf %max3A_709, %min3A_710 : vector<16xf32>
          %max3A_712 = arith.maximumf %max3A_709, %min3A_710 : vector<16xf32>
          %max3A_713 = arith.maximumf %min3A_645, %get3A_699 : vector<16xf32>
          %min3A_714 = arith.minimumf %min3A_650, %get3A_707 : vector<16xf32>
          %min3A_715 = arith.minimumf %max3A_713, %min3A_714 : vector<16xf32>
          %min3A_716 = arith.minimumf %max3A_712, %min3A_715 : vector<16xf32>
          %add3A_717 = arith.addf %max3A_675, %max3A_678 : vector<16xf32>
          %add3A_718 = arith.addf %add3A_717, %max3A_683 : vector<16xf32>
          %div3A_719 = arith.constant 3.000000e+00 : f32
          %div3A_720 = vector.broadcast %div3A_719 : f32 to vector<16xf32>
          %div3A_721 = arith.divf %add3A_718, %div3A_720 : vector<16xf32>
          %add3A_722 = arith.addf %min3A_708, %min3A_711 : vector<16xf32>
          %add3A_723 = arith.addf %add3A_722, %min3A_716 : vector<16xf32>
          %mul3A_724 = arith.constant 0.233333334 : f32
          %mul3A_725 = vector.broadcast %mul3A_724 : f32 to vector<16xf32>
          %mul3A_726 = arith.mulf %add3A_723, %mul3A_725 : vector<16xf32>
          %add3A_727 = arith.addf %div3A_721, %mul3A_726 : vector<16xf32>
          %mul3A_728 = arith.constant 5.000000e-01 : f32
          %mul3A_729 = vector.broadcast %mul3A_728 : f32 to vector<16xf32>
          %mul3A_730 = arith.mulf %add3A_727, %mul3A_729 : vector<16xf32>
          %mul3A_731 = arith.constant 128 : i32
          %mul3A_732 = arith.muli %select_n3A_463, %mul3A_731 : i32
          %mul3A_733 = arith.constant 16 : i32
          %mul3A_734 = arith.muli %scan3A_471, %mul3A_733 : i32
          %add3A_735 = arith.addi %mul3A_732, %mul3A_734 : i32
          %swap3A = arith.index_cast %add3A_735 : i32 to index
          %swap3A_736 = tpu.vector_load %arg7[%swap3A] {strides = array<i32>} : memref<768xf32, #tpu.memory_space<vmem>>, vector<16xf32>,
          tpu.vector_store %arg7[%swap3A], %mul3A_730 {strides = array<i32>} : memref<768xf32, #tpu.memory_space<vmem>>, vector<16xf32>,
          %scan3A_737 = arith.constant 0 : i32
          scf.yield %scan3A_737 : i32
        }
        %scan3A_470 = arith.constant 8 : i32
      } else {
      }
    }
    %scan3A_50 = arith.constant 12 : i32
    %mul3A_51 = arith.constant 768 : i32
    %mul3A_52 = arith.muli %add3A, %mul3A_51 : i32
    "tpu.region"() ({
      %run_scoped3A = tpu.sem_alloc : memref<!tpu.dma_semaphore, #tpu.memory_space<semaphore_mem>>
      %dma_start3A_53 = tpu.memref_slice %arg3[%mul3A_52] : memref<24576xf32, #tpu.memory_space<hbm>> -> memref<768xf32, #tpu.memory_space<hbm>>
      %dma_start3A_54 = tpu.memref_slice %arg3[%mul3A_52] : memref<24576xf32, #tpu.memory_space<hbm>> -> memref<768xf32, #tpu.memory_space<hbm>>
      tpu.enqueue_dma source(%arg7 : memref<768xf32, #tpu.memory_space<vmem>>) target(%dma_start3A_54 : memref<768xf32, #tpu.memory_space<hbm>>) target_semaphore(%run_scoped3A : memref<!tpu.dma_semaphore, #tpu.memory_space<semaphore_mem>>)
      %dma_wait3A = tpu.memref_slice %arg3[%mul3A_52] : memref<24576xf32, #tpu.memory_space<hbm>> -> memref<768xf32, #tpu.memory_space<hbm>>
      %dma_wait3A_55 = tpu.memref_slice %arg3[%mul3A_52] : memref<24576xf32, #tpu.memory_space<hbm>> -> memref<768xf32, #tpu.memory_space<hbm>>
      tpu.wait_dma2 semaphore(%run_scoped3A : memref<!tpu.dma_semaphore, #tpu.memory_space<semaphore_mem>>) src(%arg7 : memref<768xf32, #tpu.memory_space<vmem>>) dst(%dma_wait3A_55 : memref<768xf32, #tpu.memory_space<hbm>>)
      tpu.yield
    }) : () -> ()
    return
  }
}

module attributes {stable_mosaic.version = 14 : i64} {
  func.func @tc_pool(%arg0: i32, %arg1: memref<1024x768xf32, #tpu.memory_space<vmem>>, %arg2: memref<1x1x768xf32, #tpu.memory_space<vmem>>) attributes {dimension_semantics = [#tpu.dimension_semantics<arbitrary>], iteration_bounds = array<i64: 32>, scalar_prefetch = 0 : i64, scratch_operands = 0 : i64, tpu.core_type = #tpu.core_type<tc>, window_params = [{transform_indices = @transform_0, window_bounds = array<i64: 1024, 768>}, {transform_indices = @transform_1, window_bounds = array<i64: 1, 1, 768>}]} {
    %broadcast_in_dim3A = arith.constant 0xFF800000 : f32
    %broadcast_in_dim3A_0 = vector.broadcast %broadcast_in_dim3A : f32 to vector<8x768xf32>
    %broadcast_in_dim3A_1 = arith.constant 0x7F800000 : f32
    %broadcast_in_dim3A_2 = vector.broadcast %broadcast_in_dim3A_1 : f32 to vector<8x768xf32>
    %scan3A = arith.constant 0 : i32
    %scan3A_3 = arith.constant 8 : i32
    %scan3A_4 = arith.addi %scan3A, %scan3A_3 : i32
    %scan3A_5 = arith.constant 1 : i32
    %scan3A_6:24 = scf.for %scan3A_163 = %scan3A to %scan3A_4 step %scan3A_5 iter_args(%scan3A_164 = %broadcast_in_dim3A_0, %scan3A_165 = %broadcast_in_dim3A_0, %scan3A_166 = %broadcast_in_dim3A_0, %scan3A_167 = %broadcast_in_dim3A_0, %scan3A_168 = %broadcast_in_dim3A_0, %scan3A_169 = %broadcast_in_dim3A_0, %scan3A_170 = %broadcast_in_dim3A_0, %scan3A_171 = %broadcast_in_dim3A_0, %scan3A_172 = %broadcast_in_dim3A_0, %scan3A_173 = %broadcast_in_dim3A_0, %scan3A_174 = %broadcast_in_dim3A_0, %scan3A_175 = %broadcast_in_dim3A_0, %scan3A_176 = %broadcast_in_dim3A_2, %scan3A_177 = %broadcast_in_dim3A_2, %scan3A_178 = %broadcast_in_dim3A_2, %scan3A_179 = %broadcast_in_dim3A_2, %scan3A_180 = %broadcast_in_dim3A_2, %scan3A_181 = %broadcast_in_dim3A_2, %scan3A_182 = %broadcast_in_dim3A_2, %scan3A_183 = %broadcast_in_dim3A_2, %scan3A_184 = %broadcast_in_dim3A_2, %scan3A_185 = %broadcast_in_dim3A_2, %scan3A_186 = %broadcast_in_dim3A_2, %scan3A_187 = %broadcast_in_dim3A_2) -> (vector<8x768xf32>, vector<8x768xf32>, vector<8x768xf32>, vector<8x768xf32>, vector<8x768xf32>, vector<8x768xf32>, vector<8x768xf32>, vector<8x768xf32>, vector<8x768xf32>, vector<8x768xf32>, vector<8x768xf32>, vector<8x768xf32>, vector<8x768xf32>, vector<8x768xf32>, vector<8x768xf32>, vector<8x768xf32>, vector<8x768xf32>, vector<8x768xf32>, vector<8x768xf32>, vector<8x768xf32>, vector<8x768xf32>, vector<8x768xf32>, vector<8x768xf32>, vector<8x768xf32>)  : i32 {
      %mul3A_188 = arith.constant 128 : i32
      %mul3A_189 = arith.muli %scan3A_163, %mul3A_188 : i32
      %multiple_of3A = tpu.assume_multiple %mul3A_189, 128 : i32
      %add3A_190 = arith.constant 0 : i32
      %add3A_191 = arith.addi %multiple_of3A, %add3A_190 : i32
      %get3A = arith.index_cast %add3A_191 : i32 to index
      %get3A_192 = arith.constant 0 : index
      %get3A_193 = vector.load %arg1[%get3A, %get3A_192] : memref<1024x768xf32, #tpu.memory_space<vmem>>, vector<8x768xf32>
      %add3A_194 = arith.constant 8 : i32
      %add3A_195 = arith.addi %add3A_191, %add3A_194 : i32
      %get3A_196 = arith.index_cast %add3A_195 : i32 to index
      %get3A_197 = arith.constant 0 : index
      %get3A_198 = vector.load %arg1[%get3A_196, %get3A_197] : memref<1024x768xf32, #tpu.memory_space<vmem>>, vector<8x768xf32>
      %add3A_199 = arith.constant 16 : i32
      %add3A_200 = arith.addi %add3A_191, %add3A_199 : i32
      %get3A_201 = arith.index_cast %add3A_200 : i32 to index
      %get3A_202 = arith.constant 0 : index
      %get3A_203 = vector.load %arg1[%get3A_201, %get3A_202] : memref<1024x768xf32, #tpu.memory_space<vmem>>, vector<8x768xf32>
      %add3A_204 = arith.constant 24 : i32
      %add3A_205 = arith.addi %add3A_191, %add3A_204 : i32
      %get3A_206 = arith.index_cast %add3A_205 : i32 to index
      %get3A_207 = arith.constant 0 : index
      %get3A_208 = vector.load %arg1[%get3A_206, %get3A_207] : memref<1024x768xf32, #tpu.memory_space<vmem>>, vector<8x768xf32>
      %max3A_209 = arith.maximumf %get3A_193, %get3A_198 : vector<8x768xf32>
      %min3A_210 = arith.minimumf %get3A_193, %get3A_198 : vector<8x768xf32>
      %max3A_211 = arith.maximumf %get3A_203, %get3A_208 : vector<8x768xf32>
      %min3A_212 = arith.minimumf %get3A_203, %get3A_208 : vector<8x768xf32>
      %max3A_213 = arith.maximumf %max3A_209, %max3A_211 : vector<8x768xf32>
      %min3A_214 = arith.minimumf %max3A_209, %max3A_211 : vector<8x768xf32>
      %max3A_215 = arith.maximumf %min3A_210, %min3A_212 : vector<8x768xf32>
      %min3A_216 = arith.minimumf %min3A_210, %min3A_212 : vector<8x768xf32>
      %max3A_217 = arith.maximumf %min3A_214, %max3A_215 : vector<8x768xf32>
      %min3A_218 = arith.minimumf %min3A_214, %max3A_215 : vector<8x768xf32>
      %max3A_219 = arith.maximumf %scan3A_164, %max3A_213 : vector<8x768xf32>
      %min3A_220 = arith.minimumf %scan3A_164, %max3A_213 : vector<8x768xf32>
      %max3A_221 = arith.maximumf %scan3A_165, %max3A_217 : vector<8x768xf32>
      %max3A_222 = arith.maximumf %min3A_220, %max3A_221 : vector<8x768xf32>
      %min3A_223 = arith.minimumf %min3A_220, %max3A_221 : vector<8x768xf32>
      %min3A_224 = arith.minimumf %scan3A_165, %max3A_217 : vector<8x768xf32>
      %max3A_225 = arith.maximumf %scan3A_166, %min3A_218 : vector<8x768xf32>
      %max3A_226 = arith.maximumf %min3A_224, %max3A_225 : vector<8x768xf32>
      %max3A_227 = arith.maximumf %min3A_223, %max3A_226 : vector<8x768xf32>
      %min3A_228 = arith.minimumf %scan3A_176, %min3A_216 : vector<8x768xf32>
      %max3A_229 = arith.maximumf %scan3A_176, %min3A_216 : vector<8x768xf32>
      %min3A_230 = arith.minimumf %scan3A_177, %min3A_218 : vector<8x768xf32>
      %min3A_231 = arith.minimumf %max3A_229, %min3A_230 : vector<8x768xf32>
      %max3A_232 = arith.maximumf %max3A_229, %min3A_230 : vector<8x768xf32>
      %max3A_233 = arith.maximumf %scan3A_177, %min3A_218 : vector<8x768xf32>
      %min3A_234 = arith.minimumf %scan3A_178, %max3A_217 : vector<8x768xf32>
      %min3A_235 = arith.minimumf %max3A_233, %min3A_234 : vector<8x768xf32>
      %min3A_236 = arith.minimumf %max3A_232, %min3A_235 : vector<8x768xf32>
      %add3A_237 = arith.constant 32 : i32
      %add3A_238 = arith.addi %multiple_of3A, %add3A_237 : i32
      %get3A_239 = arith.index_cast %add3A_238 : i32 to index
      %get3A_240 = arith.constant 0 : index
      %get3A_241 = vector.load %arg1[%get3A_239, %get3A_240] : memref<1024x768xf32, #tpu.memory_space<vmem>>, vector<8x768xf32>
      %add3A_242 = arith.constant 8 : i32
      %add3A_243 = arith.addi %add3A_238, %add3A_242 : i32
      %get3A_244 = arith.index_cast %add3A_243 : i32 to index
      %get3A_245 = arith.constant 0 : index
      %get3A_246 = vector.load %arg1[%get3A_244, %get3A_245] : memref<1024x768xf32, #tpu.memory_space<vmem>>, vector<8x768xf32>
      %add3A_247 = arith.constant 16 : i32
      %add3A_248 = arith.addi %add3A_238, %add3A_247 : i32
      %get3A_249 = arith.index_cast %add3A_248 : i32 to index
      %get3A_250 = arith.constant 0 : index
      %get3A_251 = vector.load %arg1[%get3A_249, %get3A_250] : memref<1024x768xf32, #tpu.memory_space<vmem>>, vector<8x768xf32>
      %add3A_252 = arith.constant 24 : i32
      %add3A_253 = arith.addi %add3A_238, %add3A_252 : i32
      %get3A_254 = arith.index_cast %add3A_253 : i32 to index
      %get3A_255 = arith.constant 0 : index
      %get3A_256 = vector.load %arg1[%get3A_254, %get3A_255] : memref<1024x768xf32, #tpu.memory_space<vmem>>, vector<8x768xf32>
      %max3A_257 = arith.maximumf %get3A_241, %get3A_246 : vector<8x768xf32>
      %min3A_258 = arith.minimumf %get3A_241, %get3A_246 : vector<8x768xf32>
      %max3A_259 = arith.maximumf %get3A_251, %get3A_256 : vector<8x768xf32>
      %min3A_260 = arith.minimumf %get3A_251, %get3A_256 : vector<8x768xf32>
      %max3A_261 = arith.maximumf %max3A_257, %max3A_259 : vector<8x768xf32>
      %min3A_262 = arith.minimumf %max3A_257, %max3A_259 : vector<8x768xf32>
      %max3A_263 = arith.maximumf %min3A_258, %min3A_260 : vector<8x768xf32>
      %min3A_264 = arith.minimumf %min3A_258, %min3A_260 : vector<8x768xf32>
      %max3A_265 = arith.maximumf %min3A_262, %max3A_263 : vector<8x768xf32>
      %min3A_266 = arith.minimumf %min3A_262, %max3A_263 : vector<8x768xf32>
      %max3A_267 = arith.maximumf %scan3A_167, %max3A_261 : vector<8x768xf32>
      %min3A_268 = arith.minimumf %scan3A_167, %max3A_261 : vector<8x768xf32>
      %max3A_269 = arith.maximumf %scan3A_168, %max3A_265 : vector<8x768xf32>
      %max3A_270 = arith.maximumf %min3A_268, %max3A_269 : vector<8x768xf32>
      %min3A_271 = arith.minimumf %min3A_268, %max3A_269 : vector<8x768xf32>
      %min3A_272 = arith.minimumf %scan3A_168, %max3A_265 : vector<8x768xf32>
      %max3A_273 = arith.maximumf %scan3A_169, %min3A_266 : vector<8x768xf32>
      %max3A_274 = arith.maximumf %min3A_272, %max3A_273 : vector<8x768xf32>
      %max3A_275 = arith.maximumf %min3A_271, %max3A_274 : vector<8x768xf32>
      %min3A_276 = arith.minimumf %scan3A_179, %min3A_264 : vector<8x768xf32>
      %max3A_277 = arith.maximumf %scan3A_179, %min3A_264 : vector<8x768xf32>
      %min3A_278 = arith.minimumf %scan3A_180, %min3A_266 : vector<8x768xf32>
      %min3A_279 = arith.minimumf %max3A_277, %min3A_278 : vector<8x768xf32>
      %max3A_280 = arith.maximumf %max3A_277, %min3A_278 : vector<8x768xf32>
      %max3A_281 = arith.maximumf %scan3A_180, %min3A_266 : vector<8x768xf32>
      %min3A_282 = arith.minimumf %scan3A_181, %max3A_265 : vector<8x768xf32>
      %min3A_283 = arith.minimumf %max3A_281, %min3A_282 : vector<8x768xf32>
      %min3A_284 = arith.minimumf %max3A_280, %min3A_283 : vector<8x768xf32>
      %add3A_285 = arith.constant 64 : i32
      %add3A_286 = arith.addi %multiple_of3A, %add3A_285 : i32
      %get3A_287 = arith.index_cast %add3A_286 : i32 to index
      %get3A_288 = arith.constant 0 : index
      %get3A_289 = vector.load %arg1[%get3A_287, %get3A_288] : memref<1024x768xf32, #tpu.memory_space<vmem>>, vector<8x768xf32>
      %add3A_290 = arith.constant 8 : i32
      %add3A_291 = arith.addi %add3A_286, %add3A_290 : i32
      %get3A_292 = arith.index_cast %add3A_291 : i32 to index
      %get3A_293 = arith.constant 0 : index
      %get3A_294 = vector.load %arg1[%get3A_292, %get3A_293] : memref<1024x768xf32, #tpu.memory_space<vmem>>, vector<8x768xf32>
      %add3A_295 = arith.constant 16 : i32
      %add3A_296 = arith.addi %add3A_286, %add3A_295 : i32
      %get3A_297 = arith.index_cast %add3A_296 : i32 to index
      %get3A_298 = arith.constant 0 : index
      %get3A_299 = vector.load %arg1[%get3A_297, %get3A_298] : memref<1024x768xf32, #tpu.memory_space<vmem>>, vector<8x768xf32>
      %add3A_300 = arith.constant 24 : i32
      %add3A_301 = arith.addi %add3A_286, %add3A_300 : i32
      %get3A_302 = arith.index_cast %add3A_301 : i32 to index
      %get3A_303 = arith.constant 0 : index
      %get3A_304 = vector.load %arg1[%get3A_302, %get3A_303] : memref<1024x768xf32, #tpu.memory_space<vmem>>, vector<8x768xf32>
      %max3A_305 = arith.maximumf %get3A_289, %get3A_294 : vector<8x768xf32>
      %min3A_306 = arith.minimumf %get3A_289, %get3A_294 : vector<8x768xf32>
      %max3A_307 = arith.maximumf %get3A_299, %get3A_304 : vector<8x768xf32>
      %min3A_308 = arith.minimumf %get3A_299, %get3A_304 : vector<8x768xf32>
      %max3A_309 = arith.maximumf %max3A_305, %max3A_307 : vector<8x768xf32>
      %min3A_310 = arith.minimumf %max3A_305, %max3A_307 : vector<8x768xf32>
      %max3A_311 = arith.maximumf %min3A_306, %min3A_308 : vector<8x768xf32>
      %min3A_312 = arith.minimumf %min3A_306, %min3A_308 : vector<8x768xf32>
      %max3A_313 = arith.maximumf %min3A_310, %max3A_311 : vector<8x768xf32>
      %min3A_314 = arith.minimumf %min3A_310, %max3A_311 : vector<8x768xf32>
      %max3A_315 = arith.maximumf %scan3A_170, %max3A_309 : vector<8x768xf32>
      %min3A_316 = arith.minimumf %scan3A_170, %max3A_309 : vector<8x768xf32>
      %max3A_317 = arith.maximumf %scan3A_171, %max3A_313 : vector<8x768xf32>
      %max3A_318 = arith.maximumf %min3A_316, %max3A_317 : vector<8x768xf32>
      %min3A_319 = arith.minimumf %min3A_316, %max3A_317 : vector<8x768xf32>
      %min3A_320 = arith.minimumf %scan3A_171, %max3A_313 : vector<8x768xf32>
      %max3A_321 = arith.maximumf %scan3A_172, %min3A_314 : vector<8x768xf32>
      %max3A_322 = arith.maximumf %min3A_320, %max3A_321 : vector<8x768xf32>
      %max3A_323 = arith.maximumf %min3A_319, %max3A_322 : vector<8x768xf32>
      %min3A_324 = arith.minimumf %scan3A_182, %min3A_312 : vector<8x768xf32>
      %max3A_325 = arith.maximumf %scan3A_182, %min3A_312 : vector<8x768xf32>
      %min3A_326 = arith.minimumf %scan3A_183, %min3A_314 : vector<8x768xf32>
      %min3A_327 = arith.minimumf %max3A_325, %min3A_326 : vector<8x768xf32>
      %max3A_328 = arith.maximumf %max3A_325, %min3A_326 : vector<8x768xf32>
      %max3A_329 = arith.maximumf %scan3A_183, %min3A_314 : vector<8x768xf32>
      %min3A_330 = arith.minimumf %scan3A_184, %max3A_313 : vector<8x768xf32>
      %min3A_331 = arith.minimumf %max3A_329, %min3A_330 : vector<8x768xf32>
      %min3A_332 = arith.minimumf %max3A_328, %min3A_331 : vector<8x768xf32>
      %add3A_333 = arith.constant 96 : i32
      %add3A_334 = arith.addi %multiple_of3A, %add3A_333 : i32
      %get3A_335 = arith.index_cast %add3A_334 : i32 to index
      %get3A_336 = arith.constant 0 : index
      %get3A_337 = vector.load %arg1[%get3A_335, %get3A_336] : memref<1024x768xf32, #tpu.memory_space<vmem>>, vector<8x768xf32>
      %add3A_338 = arith.constant 8 : i32
      %add3A_339 = arith.addi %add3A_334, %add3A_338 : i32
      %get3A_340 = arith.index_cast %add3A_339 : i32 to index
      %get3A_341 = arith.constant 0 : index
      %get3A_342 = vector.load %arg1[%get3A_340, %get3A_341] : memref<1024x768xf32, #tpu.memory_space<vmem>>, vector<8x768xf32>
      %add3A_343 = arith.constant 16 : i32
      %add3A_344 = arith.addi %add3A_334, %add3A_343 : i32
      %get3A_345 = arith.index_cast %add3A_344 : i32 to index
      %get3A_346 = arith.constant 0 : index
      %get3A_347 = vector.load %arg1[%get3A_345, %get3A_346] : memref<1024x768xf32, #tpu.memory_space<vmem>>, vector<8x768xf32>
      %add3A_348 = arith.constant 24 : i32
      %add3A_349 = arith.addi %add3A_334, %add3A_348 : i32
      %get3A_350 = arith.index_cast %add3A_349 : i32 to index
      %get3A_351 = arith.constant 0 : index
      %get3A_352 = vector.load %arg1[%get3A_350, %get3A_351] : memref<1024x768xf32, #tpu.memory_space<vmem>>, vector<8x768xf32>
      %max3A_353 = arith.maximumf %get3A_337, %get3A_342 : vector<8x768xf32>
      %min3A_354 = arith.minimumf %get3A_337, %get3A_342 : vector<8x768xf32>
      %max3A_355 = arith.maximumf %get3A_347, %get3A_352 : vector<8x768xf32>
      %min3A_356 = arith.minimumf %get3A_347, %get3A_352 : vector<8x768xf32>
      %max3A_357 = arith.maximumf %max3A_353, %max3A_355 : vector<8x768xf32>
      %min3A_358 = arith.minimumf %max3A_353, %max3A_355 : vector<8x768xf32>
      %max3A_359 = arith.maximumf %min3A_354, %min3A_356 : vector<8x768xf32>
      %min3A_360 = arith.minimumf %min3A_354, %min3A_356 : vector<8x768xf32>
      %max3A_361 = arith.maximumf %min3A_358, %max3A_359 : vector<8x768xf32>
      %min3A_362 = arith.minimumf %min3A_358, %max3A_359 : vector<8x768xf32>
      %max3A_363 = arith.maximumf %scan3A_173, %max3A_357 : vector<8x768xf32>
      %min3A_364 = arith.minimumf %scan3A_173, %max3A_357 : vector<8x768xf32>
      %max3A_365 = arith.maximumf %scan3A_174, %max3A_361 : vector<8x768xf32>
      %max3A_366 = arith.maximumf %min3A_364, %max3A_365 : vector<8x768xf32>
      %min3A_367 = arith.minimumf %min3A_364, %max3A_365 : vector<8x768xf32>
      %min3A_368 = arith.minimumf %scan3A_174, %max3A_361 : vector<8x768xf32>
      %max3A_369 = arith.maximumf %scan3A_175, %min3A_362 : vector<8x768xf32>
      %max3A_370 = arith.maximumf %min3A_368, %max3A_369 : vector<8x768xf32>
      %max3A_371 = arith.maximumf %min3A_367, %max3A_370 : vector<8x768xf32>
      %min3A_372 = arith.minimumf %scan3A_185, %min3A_360 : vector<8x768xf32>
      %max3A_373 = arith.maximumf %scan3A_185, %min3A_360 : vector<8x768xf32>
      %min3A_374 = arith.minimumf %scan3A_186, %min3A_362 : vector<8x768xf32>
      %min3A_375 = arith.minimumf %max3A_373, %min3A_374 : vector<8x768xf32>
      %max3A_376 = arith.maximumf %max3A_373, %min3A_374 : vector<8x768xf32>
      %max3A_377 = arith.maximumf %scan3A_186, %min3A_362 : vector<8x768xf32>
      %min3A_378 = arith.minimumf %scan3A_187, %max3A_361 : vector<8x768xf32>
      %min3A_379 = arith.minimumf %max3A_377, %min3A_378 : vector<8x768xf32>
      %min3A_380 = arith.minimumf %max3A_376, %min3A_379 : vector<8x768xf32>
      scf.yield %max3A_219, %max3A_222, %max3A_227, %max3A_267, %max3A_270, %max3A_275, %max3A_315, %max3A_318, %max3A_323, %max3A_363, %max3A_366, %max3A_371, %min3A_228, %min3A_231, %min3A_236, %min3A_276, %min3A_279, %min3A_284, %min3A_324, %min3A_327, %min3A_332, %min3A_372, %min3A_375, %min3A_380 : vector<8x768xf32>, vector<8x768xf32>, vector<8x768xf32>, vector<8x768xf32>, vector<8x768xf32>, vector<8x768xf32>, vector<8x768xf32>, vector<8x768xf32>, vector<8x768xf32>, vector<8x768xf32>, vector<8x768xf32>, vector<8x768xf32>, vector<8x768xf32>, vector<8x768xf32>, vector<8x768xf32>, vector<8x768xf32>, vector<8x768xf32>, vector<8x768xf32>, vector<8x768xf32>, vector<8x768xf32>, vector<8x768xf32>, vector<8x768xf32>, vector<8x768xf32>, vector<8x768xf32>
    }
    %scan3A_7 = arith.constant 8 : i32
    %max3A = arith.maximumf %scan3A_6#0, %scan3A_6#3 : vector<8x768xf32>
    %min3A = arith.minimumf %scan3A_6#0, %scan3A_6#3 : vector<8x768xf32>
    %max3A_8 = arith.maximumf %scan3A_6#1, %scan3A_6#4 : vector<8x768xf32>
    %max3A_9 = arith.maximumf %min3A, %max3A_8 : vector<8x768xf32>
    %min3A_10 = arith.minimumf %min3A, %max3A_8 : vector<8x768xf32>
    %min3A_11 = arith.minimumf %scan3A_6#1, %scan3A_6#4 : vector<8x768xf32>
    %max3A_12 = arith.maximumf %scan3A_6#2, %scan3A_6#5 : vector<8x768xf32>
    %max3A_13 = arith.maximumf %min3A_11, %max3A_12 : vector<8x768xf32>
    %max3A_14 = arith.maximumf %min3A_10, %max3A_13 : vector<8x768xf32>
    %min3A_15 = arith.minimumf %scan3A_6#12, %scan3A_6#15 : vector<8x768xf32>
    %max3A_16 = arith.maximumf %scan3A_6#12, %scan3A_6#15 : vector<8x768xf32>
    %min3A_17 = arith.minimumf %scan3A_6#13, %scan3A_6#16 : vector<8x768xf32>
    %min3A_18 = arith.minimumf %max3A_16, %min3A_17 : vector<8x768xf32>
    %max3A_19 = arith.maximumf %max3A_16, %min3A_17 : vector<8x768xf32>
    %max3A_20 = arith.maximumf %scan3A_6#13, %scan3A_6#16 : vector<8x768xf32>
    %min3A_21 = arith.minimumf %scan3A_6#14, %scan3A_6#17 : vector<8x768xf32>
    %min3A_22 = arith.minimumf %max3A_20, %min3A_21 : vector<8x768xf32>
    %min3A_23 = arith.minimumf %max3A_19, %min3A_22 : vector<8x768xf32>
    %max3A_24 = arith.maximumf %max3A, %scan3A_6#6 : vector<8x768xf32>
    %min3A_25 = arith.minimumf %max3A, %scan3A_6#6 : vector<8x768xf32>
    %max3A_26 = arith.maximumf %max3A_9, %scan3A_6#7 : vector<8x768xf32>
    %max3A_27 = arith.maximumf %min3A_25, %max3A_26 : vector<8x768xf32>
    %min3A_28 = arith.minimumf %min3A_25, %max3A_26 : vector<8x768xf32>
    %min3A_29 = arith.minimumf %max3A_9, %scan3A_6#7 : vector<8x768xf32>
    %max3A_30 = arith.maximumf %max3A_14, %scan3A_6#8 : vector<8x768xf32>
    %max3A_31 = arith.maximumf %min3A_29, %max3A_30 : vector<8x768xf32>
    %max3A_32 = arith.maximumf %min3A_28, %max3A_31 : vector<8x768xf32>
    %min3A_33 = arith.minimumf %min3A_15, %scan3A_6#18 : vector<8x768xf32>
    %max3A_34 = arith.maximumf %min3A_15, %scan3A_6#18 : vector<8x768xf32>
    %min3A_35 = arith.minimumf %min3A_18, %scan3A_6#19 : vector<8x768xf32>
    %min3A_36 = arith.minimumf %max3A_34, %min3A_35 : vector<8x768xf32>
    %max3A_37 = arith.maximumf %max3A_34, %min3A_35 : vector<8x768xf32>
    %max3A_38 = arith.maximumf %min3A_18, %scan3A_6#19 : vector<8x768xf32>
    %min3A_39 = arith.minimumf %min3A_23, %scan3A_6#20 : vector<8x768xf32>
    %min3A_40 = arith.minimumf %max3A_38, %min3A_39 : vector<8x768xf32>
    %min3A_41 = arith.minimumf %max3A_37, %min3A_40 : vector<8x768xf32>
    %max3A_42 = arith.maximumf %max3A_24, %scan3A_6#9 : vector<8x768xf32>
    %min3A_43 = arith.minimumf %max3A_24, %scan3A_6#9 : vector<8x768xf32>
    %max3A_44 = arith.maximumf %max3A_27, %scan3A_6#10 : vector<8x768xf32>
    %max3A_45 = arith.maximumf %min3A_43, %max3A_44 : vector<8x768xf32>
    %min3A_46 = arith.minimumf %min3A_43, %max3A_44 : vector<8x768xf32>
    %min3A_47 = arith.minimumf %max3A_27, %scan3A_6#10 : vector<8x768xf32>
    %max3A_48 = arith.maximumf %max3A_32, %scan3A_6#11 : vector<8x768xf32>
    %max3A_49 = arith.maximumf %min3A_47, %max3A_48 : vector<8x768xf32>
    %max3A_50 = arith.maximumf %min3A_46, %max3A_49 : vector<8x768xf32>
    %min3A_51 = arith.minimumf %min3A_33, %scan3A_6#21 : vector<8x768xf32>
    %max3A_52 = arith.maximumf %min3A_33, %scan3A_6#21 : vector<8x768xf32>
    %min3A_53 = arith.minimumf %min3A_36, %scan3A_6#22 : vector<8x768xf32>
    %min3A_54 = arith.minimumf %max3A_52, %min3A_53 : vector<8x768xf32>
    %max3A_55 = arith.maximumf %max3A_52, %min3A_53 : vector<8x768xf32>
    %max3A_56 = arith.maximumf %min3A_36, %scan3A_6#22 : vector<8x768xf32>
    %min3A_57 = arith.minimumf %min3A_41, %scan3A_6#23 : vector<8x768xf32>
    %min3A_58 = arith.minimumf %max3A_56, %min3A_57 : vector<8x768xf32>
    %min3A_59 = arith.minimumf %max3A_55, %min3A_58 : vector<8x768xf32>
    %slice3A = vector.extract_strided_slice %max3A_42 {offsets = [0, 0], sizes = [4, 768], strides = [1, 1]} : vector<8x768xf32> to vector<4x768xf32>
    %slice3A_60 = vector.extract_strided_slice %max3A_45 {offsets = [0, 0], sizes = [4, 768], strides = [1, 1]} : vector<8x768xf32> to vector<4x768xf32>
    %slice3A_61 = vector.extract_strided_slice %max3A_50 {offsets = [0, 0], sizes = [4, 768], strides = [1, 1]} : vector<8x768xf32> to vector<4x768xf32>
    %slice3A_62 = vector.extract_strided_slice %max3A_42 {offsets = [4, 0], sizes = [4, 768], strides = [1, 1]} : vector<8x768xf32> to vector<4x768xf32>
    %slice3A_63 = vector.extract_strided_slice %max3A_45 {offsets = [4, 0], sizes = [4, 768], strides = [1, 1]} : vector<8x768xf32> to vector<4x768xf32>
    %slice3A_64 = vector.extract_strided_slice %max3A_50 {offsets = [4, 0], sizes = [4, 768], strides = [1, 1]} : vector<8x768xf32> to vector<4x768xf32>
    %max3A_65 = arith.maximumf %slice3A, %slice3A_62 : vector<4x768xf32>
    %min3A_66 = arith.minimumf %slice3A, %slice3A_62 : vector<4x768xf32>
    %max3A_67 = arith.maximumf %slice3A_60, %slice3A_63 : vector<4x768xf32>
    %max3A_68 = arith.maximumf %min3A_66, %max3A_67 : vector<4x768xf32>
    %min3A_69 = arith.minimumf %min3A_66, %max3A_67 : vector<4x768xf32>
    %min3A_70 = arith.minimumf %slice3A_60, %slice3A_63 : vector<4x768xf32>
    %max3A_71 = arith.maximumf %slice3A_61, %slice3A_64 : vector<4x768xf32>
    %max3A_72 = arith.maximumf %min3A_70, %max3A_71 : vector<4x768xf32>
    %max3A_73 = arith.maximumf %min3A_69, %max3A_72 : vector<4x768xf32>
    %slice3A_74 = vector.extract_strided_slice %min3A_51 {offsets = [0, 0], sizes = [4, 768], strides = [1, 1]} : vector<8x768xf32> to vector<4x768xf32>
    %slice3A_75 = vector.extract_strided_slice %min3A_54 {offsets = [0, 0], sizes = [4, 768], strides = [1, 1]} : vector<8x768xf32> to vector<4x768xf32>
    %slice3A_76 = vector.extract_strided_slice %min3A_59 {offsets = [0, 0], sizes = [4, 768], strides = [1, 1]} : vector<8x768xf32> to vector<4x768xf32>
    %slice3A_77 = vector.extract_strided_slice %min3A_51 {offsets = [4, 0], sizes = [4, 768], strides = [1, 1]} : vector<8x768xf32> to vector<4x768xf32>
    %slice3A_78 = vector.extract_strided_slice %min3A_54 {offsets = [4, 0], sizes = [4, 768], strides = [1, 1]} : vector<8x768xf32> to vector<4x768xf32>
    %slice3A_79 = vector.extract_strided_slice %min3A_59 {offsets = [4, 0], sizes = [4, 768], strides = [1, 1]} : vector<8x768xf32> to vector<4x768xf32>
    %min3A_80 = arith.minimumf %slice3A_74, %slice3A_77 : vector<4x768xf32>
    %max3A_81 = arith.maximumf %slice3A_74, %slice3A_77 : vector<4x768xf32>
    %min3A_82 = arith.minimumf %slice3A_75, %slice3A_78 : vector<4x768xf32>
    %min3A_83 = arith.minimumf %max3A_81, %min3A_82 : vector<4x768xf32>
    %max3A_84 = arith.maximumf %max3A_81, %min3A_82 : vector<4x768xf32>
    %max3A_85 = arith.maximumf %slice3A_75, %slice3A_78 : vector<4x768xf32>
    %min3A_86 = arith.minimumf %slice3A_76, %slice3A_79 : vector<4x768xf32>
    %min3A_87 = arith.minimumf %max3A_85, %min3A_86 : vector<4x768xf32>
    %min3A_88 = arith.minimumf %max3A_84, %min3A_87 : vector<4x768xf32>
    %slice3A_89 = vector.extract_strided_slice %max3A_65 {offsets = [0, 0], sizes = [2, 768], strides = [1, 1]} : vector<4x768xf32> to vector<2x768xf32>
    %slice3A_90 = vector.extract_strided_slice %max3A_68 {offsets = [0, 0], sizes = [2, 768], strides = [1, 1]} : vector<4x768xf32> to vector<2x768xf32>
    %slice3A_91 = vector.extract_strided_slice %max3A_73 {offsets = [0, 0], sizes = [2, 768], strides = [1, 1]} : vector<4x768xf32> to vector<2x768xf32>
    %slice3A_92 = vector.extract_strided_slice %max3A_65 {offsets = [2, 0], sizes = [2, 768], strides = [1, 1]} : vector<4x768xf32> to vector<2x768xf32>
    %slice3A_93 = vector.extract_strided_slice %max3A_68 {offsets = [2, 0], sizes = [2, 768], strides = [1, 1]} : vector<4x768xf32> to vector<2x768xf32>
    %slice3A_94 = vector.extract_strided_slice %max3A_73 {offsets = [2, 0], sizes = [2, 768], strides = [1, 1]} : vector<4x768xf32> to vector<2x768xf32>
    %max3A_95 = arith.maximumf %slice3A_89, %slice3A_92 : vector<2x768xf32>
    %min3A_96 = arith.minimumf %slice3A_89, %slice3A_92 : vector<2x768xf32>
    %max3A_97 = arith.maximumf %slice3A_90, %slice3A_93 : vector<2x768xf32>
    %max3A_98 = arith.maximumf %min3A_96, %max3A_97 : vector<2x768xf32>
    %min3A_99 = arith.minimumf %min3A_96, %max3A_97 : vector<2x768xf32>
    %min3A_100 = arith.minimumf %slice3A_90, %slice3A_93 : vector<2x768xf32>
    %max3A_101 = arith.maximumf %slice3A_91, %slice3A_94 : vector<2x768xf32>
    %max3A_102 = arith.maximumf %min3A_100, %max3A_101 : vector<2x768xf32>
    %max3A_103 = arith.maximumf %min3A_99, %max3A_102 : vector<2x768xf32>
    %slice3A_104 = vector.extract_strided_slice %min3A_80 {offsets = [0, 0], sizes = [2, 768], strides = [1, 1]} : vector<4x768xf32> to vector<2x768xf32>
    %slice3A_105 = vector.extract_strided_slice %min3A_83 {offsets = [0, 0], sizes = [2, 768], strides = [1, 1]} : vector<4x768xf32> to vector<2x768xf32>
    %slice3A_106 = vector.extract_strided_slice %min3A_88 {offsets = [0, 0], sizes = [2, 768], strides = [1, 1]} : vector<4x768xf32> to vector<2x768xf32>
    %slice3A_107 = vector.extract_strided_slice %min3A_80 {offsets = [2, 0], sizes = [2, 768], strides = [1, 1]} : vector<4x768xf32> to vector<2x768xf32>
    %slice3A_108 = vector.extract_strided_slice %min3A_83 {offsets = [2, 0], sizes = [2, 768], strides = [1, 1]} : vector<4x768xf32> to vector<2x768xf32>
    %slice3A_109 = vector.extract_strided_slice %min3A_88 {offsets = [2, 0], sizes = [2, 768], strides = [1, 1]} : vector<4x768xf32> to vector<2x768xf32>
    %min3A_110 = arith.minimumf %slice3A_104, %slice3A_107 : vector<2x768xf32>
    %max3A_111 = arith.maximumf %slice3A_104, %slice3A_107 : vector<2x768xf32>
    %min3A_112 = arith.minimumf %slice3A_105, %slice3A_108 : vector<2x768xf32>
    %min3A_113 = arith.minimumf %max3A_111, %min3A_112 : vector<2x768xf32>
    %max3A_114 = arith.maximumf %max3A_111, %min3A_112 : vector<2x768xf32>
    %max3A_115 = arith.maximumf %slice3A_105, %slice3A_108 : vector<2x768xf32>
    %min3A_116 = arith.minimumf %slice3A_106, %slice3A_109 : vector<2x768xf32>
    %min3A_117 = arith.minimumf %max3A_115, %min3A_116 : vector<2x768xf32>
    %min3A_118 = arith.minimumf %max3A_114, %min3A_117 : vector<2x768xf32>
    %slice3A_119 = vector.extract_strided_slice %max3A_95 {offsets = [0, 0], sizes = [1, 768], strides = [1, 1]} : vector<2x768xf32> to vector<1x768xf32>
    %slice3A_120 = vector.extract_strided_slice %max3A_98 {offsets = [0, 0], sizes = [1, 768], strides = [1, 1]} : vector<2x768xf32> to vector<1x768xf32>
    %slice3A_121 = vector.extract_strided_slice %max3A_103 {offsets = [0, 0], sizes = [1, 768], strides = [1, 1]} : vector<2x768xf32> to vector<1x768xf32>
    %slice3A_122 = vector.extract_strided_slice %max3A_95 {offsets = [1, 0], sizes = [1, 768], strides = [1, 1]} : vector<2x768xf32> to vector<1x768xf32>
    %slice3A_123 = vector.extract_strided_slice %max3A_98 {offsets = [1, 0], sizes = [1, 768], strides = [1, 1]} : vector<2x768xf32> to vector<1x768xf32>
    %slice3A_124 = vector.extract_strided_slice %max3A_103 {offsets = [1, 0], sizes = [1, 768], strides = [1, 1]} : vector<2x768xf32> to vector<1x768xf32>
    %max3A_125 = arith.maximumf %slice3A_119, %slice3A_122 : vector<1x768xf32>
    %min3A_126 = arith.minimumf %slice3A_119, %slice3A_122 : vector<1x768xf32>
    %max3A_127 = arith.maximumf %slice3A_120, %slice3A_123 : vector<1x768xf32>
    %max3A_128 = arith.maximumf %min3A_126, %max3A_127 : vector<1x768xf32>
    %min3A_129 = arith.minimumf %min3A_126, %max3A_127 : vector<1x768xf32>
    %min3A_130 = arith.minimumf %slice3A_120, %slice3A_123 : vector<1x768xf32>
    %max3A_131 = arith.maximumf %slice3A_121, %slice3A_124 : vector<1x768xf32>
    %max3A_132 = arith.maximumf %min3A_130, %max3A_131 : vector<1x768xf32>
    %max3A_133 = arith.maximumf %min3A_129, %max3A_132 : vector<1x768xf32>
    %slice3A_134 = vector.extract_strided_slice %min3A_110 {offsets = [0, 0], sizes = [1, 768], strides = [1, 1]} : vector<2x768xf32> to vector<1x768xf32>
    %slice3A_135 = vector.extract_strided_slice %min3A_113 {offsets = [0, 0], sizes = [1, 768], strides = [1, 1]} : vector<2x768xf32> to vector<1x768xf32>
    %slice3A_136 = vector.extract_strided_slice %min3A_118 {offsets = [0, 0], sizes = [1, 768], strides = [1, 1]} : vector<2x768xf32> to vector<1x768xf32>
    %slice3A_137 = vector.extract_strided_slice %min3A_110 {offsets = [1, 0], sizes = [1, 768], strides = [1, 1]} : vector<2x768xf32> to vector<1x768xf32>
    %slice3A_138 = vector.extract_strided_slice %min3A_113 {offsets = [1, 0], sizes = [1, 768], strides = [1, 1]} : vector<2x768xf32> to vector<1x768xf32>
    %slice3A_139 = vector.extract_strided_slice %min3A_118 {offsets = [1, 0], sizes = [1, 768], strides = [1, 1]} : vector<2x768xf32> to vector<1x768xf32>
    %min3A_140 = arith.minimumf %slice3A_134, %slice3A_137 : vector<1x768xf32>
    %max3A_141 = arith.maximumf %slice3A_134, %slice3A_137 : vector<1x768xf32>
    %min3A_142 = arith.minimumf %slice3A_135, %slice3A_138 : vector<1x768xf32>
    %min3A_143 = arith.minimumf %max3A_141, %min3A_142 : vector<1x768xf32>
    %max3A_144 = arith.maximumf %max3A_141, %min3A_142 : vector<1x768xf32>
    %max3A_145 = arith.maximumf %slice3A_135, %slice3A_138 : vector<1x768xf32>
    %min3A_146 = arith.minimumf %slice3A_136, %slice3A_139 : vector<1x768xf32>
    %min3A_147 = arith.minimumf %max3A_145, %min3A_146 : vector<1x768xf32>
    %min3A_148 = arith.minimumf %max3A_144, %min3A_147 : vector<1x768xf32>
    %add3A = arith.addf %max3A_125, %max3A_128 : vector<1x768xf32>
    %add3A_149 = arith.addf %add3A, %max3A_133 : vector<1x768xf32>
    %div3A = arith.constant 3.000000e+00 : f32
    %div3A_150 = vector.broadcast %div3A : f32 to vector<1x768xf32>
    %div3A_151 = arith.divf %add3A_149, %div3A_150 : vector<1x768xf32>
    %add3A_152 = arith.addf %min3A_140, %min3A_143 : vector<1x768xf32>
    %add3A_153 = arith.addf %add3A_152, %min3A_148 : vector<1x768xf32>
    %mul3A = arith.constant 0.233333334 : f32
    %mul3A_154 = vector.broadcast %mul3A : f32 to vector<1x768xf32>
    %mul3A_155 = arith.mulf %add3A_153, %mul3A_154 : vector<1x768xf32>
    %add3A_156 = arith.addf %div3A_151, %mul3A_155 : vector<1x768xf32>
    %mul3A_157 = arith.constant 5.000000e-01 : f32
    %mul3A_158 = vector.broadcast %mul3A_157 : f32 to vector<1x768xf32>
    %mul3A_159 = arith.mulf %add3A_156, %mul3A_158 : vector<1x768xf32>
    %reshape3A = vector.shape_cast %mul3A_159 : vector<1x768xf32> to vector<1x1x768xf32>
    %swap3A = arith.constant 0 : index
    %swap3A_160 = arith.constant 0 : index
    %swap3A_161 = arith.constant 0 : index
    %swap3A_162 = vector.load %arg2[%swap3A, %swap3A_160, %swap3A_161] : memref<1x1x768xf32, #tpu.memory_space<vmem>>, vector<1x1x768xf32>
    tpu.vector_store %arg2[%swap3A, %swap3A_160, %swap3A_161], %reshape3A {strides = array<i32>} : memref<1x1x768xf32, #tpu.memory_space<vmem>>, vector<1x1x768xf32>,
    return
  }
  func.func @transform_0(%arg0: i32) -> (i32, i32) {
    %add3A = arith.constant 32 : i32
    %add3A_0 = arith.addi %add3A, %arg0 : i32
    %c0_i32 = arith.constant 0 : i32
    %c0_i32_1 = arith.constant 0 : i32
    return %add3A_0, %c0_i32 : i32, i32
  }
  func.func @transform_1(%arg0: i32) -> (i32, i32, i32) {
    %c0_i32 = arith.constant 0 : i32
    %c0_i32_0 = arith.constant 0 : i32
    %c0_i32_1 = arith.constant 0 : i32
    return %arg0, %c0_i32, %c0_i32_0 : i32, i32, i32
  }
}

</mosaic_0001>

<sc_bundles>
// kernel: kernel.4.cloned.1.call-start
scs
__scs_entry_jumppad:
0x0: {  	(pc) =	sbr.rel $0x88, $3  }
0x1: {  	(tag) =	ssettag $0x0;
	lr =	simm.s32 $0x1  }
0x2: {  	[smem:$0x3FA0] =	sst lr;
	_ =	strace $0xD0000000  }
0x3: {  	_ = 	snop  }
0x4: {  	_ = 	snop  }
0x5: {  	_ = 	snop  }
0x6: {  	_ = 	snop  }
0x7: {  	_ = 	snop  }
__scs_overlays_trampoline_lowered:
0x8: {  	[smem:$0x3FAF] =	sst s0  }
0x9: {  	[smem:$0x3FB0] =	sst s1  }
0xa: {  	[smem:$0x3FB1] =	sst s2  }
0xb: {  	[smem:$0x3FB2] =	sst s3  }
0xc: {  	[smem:$0x3FB3] =	sst s4  }
0xd: {  	[smem:$0x3FB4] =	sst s5  }
0xe: {  	[smem:$0x3FB5] =	sst s6  }
0xf: {  	[smem:$0x3FB6] =	sst s7  }
0x10: {  	[smem:$0x3FB7] =	sst s8  }
0x11: {  	[smem:$0x3FB8] =	sst s9;
	s0 =	simm.s32 @!p0 $0x0  }
0x12: {  	s1 =	sld [smem:$0x3F9E];
	s0 =	simm.s32 @p0 $0x1  }
0x13: {  	[smem:$0x3FB9] =	sst s0;
	s0 =	simm.s32 @!p1 $0x0  }
0x14: {  	s2 =	sld [smem:$0x3F9D];
	s0 =	simm.s32 @p1 $0x1  }
0x15: {  	[smem:$0x3FBA] =	sst s0;
	s0 =	simm.s32 @!p2 $0x0  }
0x16: {  	s3 =	sld [smem:$0x3FDB];
	s0 =	simm.s32 @p2 $0x1  }
0x17: {  	s4 =	simm.s32 $0x1BF5;
	[smem:$0x3FBC] =	sst s0  }
0x18: {  	s0 =	sld [smem:$0x3F9F];
	_ =	swait.ge [sflag:s4], $0x0  }
0x19: {  	s7 =	sld [smem:$0x3FA0]  }
0x1a: {  	s8 =	sadd.s32 $0xFFFFE003, lr  }
0x1b: {  	s9 =	sadd.s32 $0xFFFFFEF7, lr;
	s5 =	simm.s32 $0xFFFFFFFF;
	p2 =	slt.u32 s8, $0xFFFFF086  }
0x1c: {  	p1 =	slt.u32 s9, $0xF7A;
	s5 =	simm.s32 @!p2 $0x0  }
0x1d: {  	s5 =	simm.s32 @p1 $0x1;
	p0 =	seq.s32 s7, s2  }
0x1e: {  	s7 =	smul.u32 @!p0 $0xF7A, s2;
	p2 =	seq.s32 @!p0 s5, $0x0  }
0x1f: {  	s9 =	smul.u32 $0xF7A, s1;
	s8 =	simm.s32 @!p0 $0x1BF5;
	p2 =	por !p2, p0  }
0x20: {  	[sflag:s8] =	ssyncset.s32 @!p0 $0xFFFFF086;
	s6 =	sadd.s32 @!p0 s3, s7;
	s7 =	simm.s32 @!p0 $0x108  }
0x21: {  	s3 =	sadd.s32 s3, s9;
	s6 =	sadd.s32 @!p0 $0x88, s6;
	s7 =	simm.s32 @p2 $0x1082  }
0x22: {  	[simem:s7], [sflag:s8] =	dma.local @!p0 [hbm:s6], $0xF7A  }
0x23: {  	s9 =	sor.u32 $0xD0000000, s2;
	s6 =	simm.s32 $0x108;
	_ =	swait.ge @!p0 [sflag:s8], $0x0  }
0x24: {  	s3 =	sadd.s32 $0x88, s3;
	s6 =	simm.s32 @!p1 $0x1082;
	[sflag:s4] =	ssyncset.s32 $0xFFFFF086  }
0x25: {  	[simem:s6], [sflag:s4] =	dma.local [hbm:s3], $0xF7A  }
0x26: {  	[smem:$0x3FA0] =	sst s1;
	(tag) =	ssettag s2;
	_ =	strace s9  }
0x27: {  	s1 =	sld [smem:$0x3FB0]  }
0x28: {  	s2 =	sld [smem:$0x3FB1]  }
0x29: {  	s4 =	sld [smem:$0x3FB3]  }
0x2a: {  	p0 =	seq.s32 s5, $0x0;
	s5 =	sld [smem:$0x3FB4]  }
0x2b: {  	s6 =	sld [smem:$0x3FB5]  }
0x2c: {  	s7 =	sld [smem:$0x3FB6]  }
0x2d: {  	s3 =	simm.s32 $0x108;
	s8 =	sld [smem:$0x3FB7]  }
0x2e: {  	s3 =	simm.s32 @!p0 $0x1082;
	s9 =	sld [smem:$0x3FB8]  }
0x2f: {  	lr =	sadd.s32 s0, s3;
	s0 =	sld [smem:$0x3FAF]  }
0x30: {  	s3 =	sld [smem:$0x3FB2]  }
0x31: {  	[smem:$0x3FBB] =	sst s10  }
0x32: {  	s10 =	sld [smem:$0x3FB9];
	_ =	sdelay $0x3  }
0x33: {  	p0 =	seq.s32 s10, $0x1;
	s10 =	sld [smem:$0x3FBB];
	_ =	sdelay $0x3  }
0x34: {  	[smem:$0x3FBB] =	sst s10  }
0x35: {  	s10 =	sld [smem:$0x3FBA];
	_ =	sdelay $0x3  }
0x36: {  	p1 =	seq.s32 s10, $0x1;
	s10 =	sld [smem:$0x3FBB];
	_ =	sdelay $0x3  }
0x37: {  	[smem:$0x3FBB] =	sst s10  }
0x38: {  	s10 =	sld [smem:$0x3FBC]  }
0x39: {  	_ = 	snop;
	(pc) =	sbr.ind lr, $3  }
0x3a: {  	_ = 	snop  }
0x3b: {  	_ = 	snop  }
0x3c: {  	p2 =	seq.s32 s10, $0x1;
	s10 =	sld [smem:$0x3FBB]  }
0x3d: {  	_ =	shalt  }
0x3e: {  	_ =	shalt  }
0x3f: {  	_ =	shalt  }
0x40: {  	_ =	shalt  }
0x41: {  	_ =	shalt  }
0x42: {  	_ =	shalt  }
0x43: {  	_ =	shalt  }
0x44: {  	_ =	shalt  }
0x45: {  	_ =	shalt  }
0x46: {  	_ =	shalt  }
0x47: {  	_ =	shalt  }
0x48: {  	_ =	shalt  }
0x49: {  	_ =	shalt  }
0x4a: {  	_ =	shalt  }
0x4b: {  	_ =	shalt  }
0x4c: {  	_ =	shalt  }
0x4d: {  	_ =	shalt  }
0x4e: {  	_ =	shalt  }
0x4f: {  	_ =	shalt  }
0x50: {  	_ =	shalt  }
0x51: {  	_ =	shalt  }
0x52: {  	_ =	shalt  }
0x53: {  	_ =	shalt  }
0x54: {  	_ =	shalt  }
0x55: {  	_ =	shalt  }
0x56: {  	_ =	shalt  }
0x57: {  	_ =	shalt  }
0x58: {  	_ =	shalt  }
0x59: {  	_ =	shalt  }
0x5a: {  	_ =	shalt  }
0x5b: {  	_ =	shalt  }
0x5c: {  	_ =	shalt  }
0x5d: {  	_ =	shalt  }
0x5e: {  	_ =	shalt  }
0x5f: {  	_ =	shalt  }
0x60: {  	_ =	shalt  }
0x61: {  	_ =	shalt  }
0x62: {  	_ =	shalt  }
0x63: {  	_ =	shalt  }
0x64: {  	_ =	shalt  }
0x65: {  	_ =	shalt  }
0x66: {  	_ =	shalt  }
0x67: {  	_ =	shalt  }
0x68: {  	_ =	shalt  }
0x69: {  	_ =	shalt  }
0x6a: {  	_ =	shalt  }
0x6b: {  	_ =	shalt  }
0x6c: {  	_ =	shalt  }
0x6d: {  	_ =	shalt  }
0x6e: {  	_ =	shalt  }
0x6f: {  	_ =	shalt  }
0x70: {  	_ =	shalt  }
0x71: {  	_ =	shalt  }
0x72: {  	_ =	shalt  }
0x73: {  	_ =	shalt  }
0x74: {  	_ =	shalt  }
0x75: {  	_ =	shalt  }
0x76: {  	_ =	shalt  }
0x77: {  	_ =	shalt  }
0x78: {  	_ =	shalt  }
0x79: {  	_ =	shalt  }
0x7a: {  	_ =	shalt  }
0x7b: {  	_ =	shalt  }
0x7c: {  	_ =	shalt  }
0x7d: {  	_ =	shalt  }
0x7e: {  	_ =	shalt  }
0x7f: {  	_ =	shalt  }
0x80: {  	_ =	shalt  }
0x81: {  	_ =	shalt  }
0x82: {  	_ =	shalt  }
0x83: {  	_ =	shalt  }
0x84: {  	_ =	shalt  }
0x85: {  	_ =	shalt  }
0x86: {  	_ =	shalt  }
0x87: {  	_ =	shalt  }
.Lfunc_end0:
.L_simem_size_0:
called_computation_lowered:
.L_overlay_start_0:
0x88: {  	s2 =	sld [smem:$0x3FD9]  }
0x89: {  	s3 =	sld [smem:$0x3FFE];
	_ =	sdelay $0x1  }
0x8a: {  	s1 =	srdreg.scid  }
0x8b: {  	s0 =	sand.u32 $0x1, s1  }
0x8c: {  	s18 =	sshll.u32 s0, $0xA;
	s2 =	sadd.s32 s3, s2  }
0x8d: {  	s2 =	sadd.s32 s2, s18  }
0x8e: {  	[smem:$0x3FC7] =	sst s2  }
0x8f: {  	_ = 	snop  }
0x90: {  	s2 =	sld [smem:$0x3FC9]  }
0x91: {  	s19 =	sld [smem:$0x3FD0];
	(tm) =	ssettm $0x1  }
0x92: {  	s4 =	sld [smem:$0x3FFB];
	_ =	sdelay $0x3  }
0x93: {  	_ =	strace s4  }
0x94: {  	s4 =	sld [smem:$0x3FFC];
	_ =	sdelay $0x3  }
0x95: {  	_ =	strace s4  }
0x96: {  	s4 =	sld [smem:$0x3FFD];
	_ =	sdelay $0x3  }
0x97: {  	_ =	strace s4  }
0x98: {  	_ =	strace $0x8FFFFFFF  }
0x99: {  	s20 =	sld [smem:$0x3FDB];
	_ =	sdelay $0x1  }
0x9a: {  	s5 =	simm.s32 $_scs_section_size  }
0x9b: {  	s6 =	simm.s32 $_size__tile_overlayer_lowered;
	s7 =	simm.s32 $_tile_overlayer_lowered  }
0x9c: {  	s23 =	simm.s32 $0x1BFF;
	s22 =	sshll.u32 s7, $0x1;
	s4 =	sadd.s32 s5, s20  }
0x9d: {  	s8 =	simm.s32 $0x0;
	s21 =	sshll.u32 s6, $0x1;
	s6 =	sadd.s32 s22, s4  }
0x9e: {  	[timem:s8], [sflag:s23] =	dma.local [hbm:s6], s21  }
0x9f: {  	_ =	swait.ge [sflag:s23], s21  }
0xa0: {  	s5 =	ssub.s32 $0x0, s21;
	[sflag:s23] =	ssyncset.done $0x0  }
0xa1: {  	[sflag:s23] =	ssyncadd.s32 s5;
	_ =	sdelay $0x1  }
0xa2: {  	s24 =	simm.s32 $0x1B8B  }
0xa3: {  	_ =	swait.ge [sflag:s24], $0x1  }
0xa4: {  	[sflag:s24] =	ssyncset.done $0x0  }
0xa5: {  	s25 =	simm.s32 $0x1B8E;
	[sflag:s24] =	ssyncadd.s32 $0xFFFFFFFF  }
0xa6: {  	s26 =	simm.s32 $execute0_lowered;
	[smem:$0x3FD2] =	sst s25  }
0xa7: {  	s5 =	sshll.u32 s26, $0x1;
	_ =	strace $0x80000046;
	[dreg:$0x1] =	wrdreg $0xFFFFFFFF  }
0xa8: {  	s28 =	simm.s32 $_size_execute0_lowered;
	s4 =	sadd.s32 s4, s5;
	[dreg:$0x0] =	wrdreg $0x0  }
0xa9: {  	s5 =	sshll.u32 s28, $0x1;
	[dreg:$0x2] =	wrdreg s4  }
0xaa: {  	[dreg:$0x3] =	wrdreg s5  }
0xab: {  	[dreg:$0x4] =	wrdreg $0xC0  }
0xac: {  	_ =	task [dreg:s8], $0x5FFFF  }
0xad: {  	[dreg:$0x1] =	wrdreg $0xFFFFFFFF  }
0xae: {  	[dreg:$0x0] =	wrdreg $0x60  }
0xaf: {  	[dreg:$0x2] =	wrdreg s2  }
0xb0: {  	[dreg:$0x3] =	wrdreg s19  }
0xb1: {  	[dreg:$0x4] =	wrdreg $0x9  }
0xb2: {  	_ =	task.clear_ibuf [dreg:s8], $0x5FFFF;
	_ =	strace $0x90000046  }
0xb3: {  	s29 =	simm.s32 $0x9;
	_ =	strace $0x80000048  }
0xb4: {  	_ =	swait.ge [sflag:s29], $0x1  }
0xb5: {  	[sflag:s29] =	ssyncadd.s32 $0xFFFFFFFF  }
0xb6: {  	_ =	strace $0x90000048  }
0xb7: {  	_ =	sfence  }
0xb8: {  	s30 =	sld [smem:$0x0];
	_ =	sdelay $0x2  }
0xb9: {  	s31 =	sshll.u32 s1, $0xD;
	s1 =	sshrl.u32 s1, $0x2  }
0xba: {  	s3 =	sand.u32 $0x4000, s31;
	s1 =	sadd.s32 s1, s30  }
0xbb: {  	s0 =	sor.u32 s3, s0;
	s1 =	sshll.u32 s1, $0x11  }
0xbc: {  	s0 =	sor.u32 s1, s0  }
0xbd: {  	s0 =	sadd.s32 $0x8F2B, s0  }
0xbe: {  	[sflag:s0] =	ssyncadd.remote.s32 $0x1  }
0xbf: {  	_ =	sfence.sel $0xFFFF  }
0xc0: {  	[dreg:$0x0] =	wrdreg $0xFFFFFFFF;
	(pc) =	sbr.abs _section_cstart, $3  }
0xc1: {  	[dreg:$0x1] =	wrdreg $0xFFFFFFFF  }
0xc2: {  	_ =	task.clear_ibuf [dreg:s8], $0x2FFFF;
	_ =	strace $0x9FFFFFFF  }
0xc3: {  	(tm) =	ssettm $0x7FFFFFFF  }
tec
execute0_lowered:
.L_overlay_start_1:
0x0: {  	(tag) =	ssettag $0x1  }
0x1: {  	s1 =	srdreg.scid;
	s0 =	stileid.u32  }
0x2: {  	s5 =	sand.u32 $0x1, s1;
	s29 =	sshll.u32 s0, $0x1  }
0x3: {  	s6 =	sor.u32 s5, s29  }
0x4: {  	s1 =	smul.u32 $0x402, s6;
	_ =	sdelay $0x1  }
0x5: {  	s2 =	smul.u32 $0x6, s6;
	s7 =	sshrl.u32 s1, $0xA  }
0x6: {  	s1 =	smul.u32 $0x6, s7;
	_ =	sdelay $0x1  }
0x7: {  	s3 =	rddreg [dreg:$0x0];
	s4 =	ssub.s32 s2, s1  }
0x8: {  	s8 =	rddreg [dreg:$0x1];
	s9 =	sand.u32 $0xFE, s4;
	s4 =	simm.s32 $0x0  }
0x9: {  	p0 =	seq.s32 s6, $0x0;
	[smem:$0x7FF] =	sst s4  }
0xa: {  	v0 =	vimm.f32 $3.000000000e+00;
	s1 =	rddreg [dreg:$0x2];
	p1 =	sne.s32 s9, $0x0;
	_ =	strace $0x80000047  }
0xb: {  	p0 =	por !p0, !p1;
	(erf) = vrcp.f32 v0  }
0xc: {  	s10 =	simm.s32 $0x1;
	p0 =	por !p0, !p0  }
0xd: {  	s10 =	simm.s32 @!p0 $0x0  }
0xe: {  	s11 =	simm.s32 $0x8000;
	s12 =	simm.s32 $0x2;
	s7 =	ssub.s32 s7, s10  }
0xf: {  	s13 =	simm.s32 $0x10C00;
	s14 =	simm.s32 $0x3;
	s7 =	smul.u32 $0xC0000, s7  }
.Ltmp0:
0x10: {  	s5 =	ssub.s32 $0x2, s5;
	s9 =	sshll.u32 s9, $0xA;
	(pc) =	sbr.rel .LBB2_1-.Ltmp0, $4  }
0x11: {  	s15 =	simm.s32 $0x0;
	s30 =	sshrl.u32 s5, $0x1;
	s7 =	sor.u32 s9, s7  }
0x12: {  	s31 =	smul.u32 $0x60, s6;
	s10 =	simm.s32 $0x1800;
	s7 =	sshrl.u32 s7, $0x3  }
0x13: {  	s9 =	ssub.s32 s5, s30;
	s5 =	simm.s32 $0x1;
	s6 =	sadd.s32 s3, s7  }
0x14: {  	s7 =	sadd.s32 s8, s31;
	s8 =	smax.u32 s9, $0x1;
	s9 =	simm.s32 $0x400;
	v0 =	vpop (erf)  }
.LBB2_15:
0x15: {  	s15 =	sadd.s32 $0x1, s15  }
0x16: {  	p0 =	sne.s32 s15, s8  }
.Ltmp1:
0x17: {  	_ = 	snop;
	(pc) =	sbr.rel @!p0 .LBB2_16-.Ltmp1, $4  }
0x18: {  	[hbm4b:s7+s4] =	stream.linear.scatter [tilespmem:s13], [sflag:$0x3], $0x300, $0x38;
	[tilespmem:$0x10F00] =	vst v63  }
0x19: {  	_ =	swait.ge [sflag:s14], $0x300  }
0x1a: {  	[sflag:s14] =	ssyncset.done $0x0  }
0x1b: {  	[sflag:s14] =	ssyncadd.s32 $0xFFFFFD00  }
.LBB2_1:
.Ltmp2:
0x1c: {  	(pc) =	sbr.rel .LBB2_2-.Ltmp2, $3  }
0x1d: {  	_ =	sdelay $0x1  }
0x1e: {  	[tilespmem:s4], [sflag:$0x1] =	stream.strided.gather [hbm4b:s6+s9], $0x8000, s10, s9, $0x38;
	[tilespmem:$0x10F00] =	vst v63  }
0x1f: {  	s16 =	simm.s32 $0x0  }
.LBB2_14:
0x20: {  	s16 =	sadd.s32 $0x1, s16  }
0x21: {  	p0 =	sne.s32 s16, $0xC  }
.Ltmp3:
0x22: {  	_ = 	snop;
	(pc) =	sbr.rel @!p0 .LBB2_15-.Ltmp3, $1  }
0x23: {  	_ =	sdelay $0x3  }
.LBB2_2:
0x24: {  	s17 =	sshrl.u32 s16, $0x1  }
0x25: {  	s17 =	sadd.s32 s2, s17  }
0x26: {  	s20 =	sshll.u32 s16, $0x1;
	s17 =	smin.u32 s17, $0xBF  }
0x27: {  	s18 =	sand.u32 $0x2, s20;
	s21 =	smulhi.u32 $0x2AAAAAAB, s17  }
0x28: {  	s19 =	sor.u32 $0x1, s18  }
0x29: {  	s23 =	sshll.u32 s19, $0x5;
	s22 =	sshll.u32 s21, $0x7;
	s21 =	smul.u32 $0x6, s21  }
0x2a: {  	s22 =	sor.u32 s23, s22  }
0x2b: {  	s22 =	smul.u32 $0x1800, s22;
	s17 =	ssub.s32 s17, s21  }
0x2c: {  	s17 =	sshll.u32 s17, $0xA  }
0x2d: {  	s17 =	sor.u32 s17, s22  }
0x2e: {  	s17 =	sshrl.u32 s17, $0x3  }
0x2f: {  	s21 =	simm.s32 $0x400;
	s17 =	sadd.s32 s3, s17  }
0x30: {  	[tilespmem:s11], [sflag:$0x2] =	stream.strided.gather [hbm4b:s17+s21], $0x8000, s10, s21, $0x38;
	[tilespmem:$0x10F00] =	vst v63  }
0x31: {  	s29 =	sshll.u32 s16, $0x6;
	s31 =	sshll.u32 s16, $0x4;
	_ =	swait.ge [sflag:s5], $0x8000  }
0x32: {  	s30 =	sand.u32 $0x3FFFFF80, s29;
	s23 =	simm.s32 $0x0;
	[sflag:s5] =	ssyncset.done $0x0  }
0x33: {  	s22 =	sand.u32 $0x10, s31;
	s17 =	sadd.s32 $0x10C00, s30;
	[sflag:s5] =	ssyncadd.s32 $0xFFFF8000  }
.LBB2_3:
0x34: {  	v2 =	vmov s21;
	_ =	sdelay $0x3  }
0x35: {  	s24 =	simm.s32 $0x0  }
0x36: {  	v1 =	vld.idx.msk [tilespmem:v2+s24+$0x100 ss:$0x1], $0xffff  }
0x37: {  	v3 =	vld.idx.msk [tilespmem:v2+s24+$0x80 ss:$0x1], $0xffff  }
0x38: {  	v6 =	vld.idx.msk [tilespmem:v2+s24+$0x300 ss:$0x1], $0xffff  }
0x39: {  	v4 =	vld.idx.msk [tilespmem:v2+s24+$0x0 ss:$0x1], $0xffff  }
0x3a: {  	v5 =	vld.idx.msk [tilespmem:v2+s24+$0x180 ss:$0x1], $0xffff  }
0x3b: {  	v9 =	vld.idx.msk [tilespmem:v2+s24+$0xFFFFFC80 ss:$0x1], $0xffff  }
0x3c: {  	v10 =	vld.idx.msk [tilespmem:v2+s24+$0xFFFFFD80 ss:$0x1], $0xffff  }
0x3d: {  	v11 =	vld.idx.msk [tilespmem:v2+s24+$0xFFFFFD00 ss:$0x1], $0xffff  }
0x3e: {  	v12 =	vld.idx.msk [tilespmem:v2+s24+$0xFFFFFC00 ss:$0x1], $0xffff  }
0x3f: {  	v15 =	vld.idx.msk [tilespmem:v2+s24+$0xFFFFFE80 ss:$0x1], $0xffff  }
0x40: {  	v17 =	vld.idx.msk [tilespmem:v2+s24+$0x380 ss:$0x1], $0xffff  }
0x41: {  	v21 =	vld.idx.msk [tilespmem:v2+s24+$0xFFFFFE00 ss:$0x1], $0xffff  }
0x42: {  	v7 =	vimm.f32 $-Inf  }
0x43: {  	v13 =	vmax.f32 v4, v3;
	v3 =	vmin.f32 v4, v3;
	v4 =	vmax.f32 v1, v5  }
0x44: {  	v1 =	vmin.f32 v1, v5;
	v5 =	vimm.f32 $+Inf;
	v20 =	vmax.f32 v11, v10  }
0x45: {  	v10 =	vmin.f32 v11, v10;
	v11 =	vmin.f32 v12, v9;
	v23 =	vmin.f32 v6, v17  }
0x46: {  	v8 =	vld.idx.msk [tilespmem:v2+s24+$0x280 ss:$0x1], $0xffff;
	v25 =	vmax.f32 v21, v15;
	v21 =	vmin.f32 v21, v15;
	v14 =	vmin.f32 v13, v4  }
0x47: {  	v19 =	vld.idx.msk [tilespmem:v2+s24+$0xFFFFFF80 ss:$0x1], $0xffff;
	v16 =	vmax.f32 v3, v1;
	v18 =	vmax.f32 v13, v4;
	v1 =	vmin.f32 v3, v1  }
0x48: {  	v13 =	vld.idx.msk [tilespmem:v2+s24+$0xFFFFFF00 ss:$0x1], $0xffff;
	v3 =	vmax.f32 v12, v9;
	v4 =	vmax.f32 v14, v16;
	v9 =	vmin.f32 v14, v16  }
0x49: {  	v12 =	vld.idx.msk [tilespmem:v2+s24+$0x200 ss:$0x1], $0xffff;
	v14 =	vmax.f32 v3, v20;
	v3 =	vmin.f32 v3, v20;
	v16 =	vmax.f32 v11, v10  }
0x4a: {  	v6 =	vmax.f32 v6, v17;
	v20 =	vmin.f32 v11, v10;
	v10 =	vmax.f32 v3, v16  }
0x4b: {  	v22 =	vmax.f32 v7, v14;
	v16 =	vmin.f32 v3, v16;
	v14 =	vmin.f32 v7, v14  }
0x4c: {  	v15 =	vmax.f32 v5, v20;
	v3 =	vmax.f32 v22, v18;
	v11 =	vmax.f32 v5, v16  }
0x4d: {  	v18 =	vmin.f32 v22, v18;
	v22 =	vmax.f32 v7, v10;
	v24 =	vmin.f32 v13, v19  }
0x4e: {  	v19 =	vmax.f32 v13, v19;
	v13 =	vmin.f32 v5, v16;
	v27 =	vmax.f32 v12, v8  }
0x4f: {  	v8 =	vmin.f32 v12, v8;
	v12 =	vmin.f32 v5, v20;
	v17 =	vmin.f32 v25, v19  }
0x50: {  	v28 =	vmin.f32 v21, v24;
	v29 =	vmin.f32 v27, v6;
	v21 =	vmax.f32 v21, v24  }
0x51: {  	v31 =	vmax.f32 v25, v19;
	v34 =	vmax.f32 v27, v6;
	v20 =	vmin.f32 v8, v23  }
0x52: {  	v25 =	vmax.f32 v12, v1;
	v6 =	vmax.f32 v8, v23;
	v30 =	vmin.f32 v15, v13  }
0x53: {  	v24 =	vmax.f32 v5, v28;
	v32 =	vmax.f32 v17, v21;
	v17 =	vmin.f32 v17, v21  }
0x54: {  	v27 =	vmin.f32 v7, v31;
	v8 =	vmin.f32 v5, v28;
	v28 =	vmin.f32 v30, v9  }
0x55: {  	v36 =	vmax.f32 v7, v31;
	v33 =	vmax.f32 v7, v32;
	v19 =	vmin.f32 v5, v17  }
0x56: {  	v21 =	vmax.f32 v5, v17;
	v17 =	vmax.f32 v7, v17;
	v26 =	vmin.f32 v24, v19  }
0x57: {  	v24 =	vmax.f32 v24, v19;
	v19 =	vmax.f32 v29, v6;
	v29 =	vmin.f32 v29, v6  }
0x58: {  	v6 =	vmin.f32 v8, v20;
	v20 =	vmax.f32 v8, v20;
	v8 =	vmin.f32 v7, v32  }
0x59: {  	v23 =	vmax.f32 v25, v28;
	v8 =	vmax.f32 v8, v17;
	v17 =	vmin.f32 v5, v32  }
0x5a: {  	v35 =	vmin.f32 v27, v33;
	v27 =	vmax.f32 v27, v33;
	v17 =	vmin.f32 v21, v17  }
0x5b: {  	v8 =	vmax.f32 v35, v8;
	v21 =	vmin.f32 v36, v34;
	v31 =	vmin.f32 v24, v17  }
0x5c: {  	s24 =	simm.s32 $0x2000;
	v24 =	vmax.f32 v8, v29;
	v17 =	vmin.f32 v7, v10;
	v8 =	vmax.f32 v36, v34  }
.LBB2_4:
0x5d: {  	s25 =	sshra.s32 s24, $0x2;
	p0 =	sne.s32 s24, $0x1E000;
	s24 =	sadd.s32 $0x2000, s24;
	v30 =	vmax.f32 v30, v9;
	v32 =	vmax.f32 v26, v29;
	v31 =	vmin.f32 v31, v19;
	v33 =	vmovc v3  }
0x5e: {  	v7 =	vmax.f32 v7, v16;
	v16 =	vmin.f32 v26, v29;
	v34 =	vld.idx.msk [tilespmem:v2+s25+$0x100 ss:$0x1], $0xffff;
	v26 =	vmin.f32 v32, v31  }
0x5f: {  	v31 =	vmax.f32 v14, v22;
	v14 =	vmin.f32 v14, v22;
	v7 =	vmax.f32 v17, v7;
	v29 =	vld.idx.msk [tilespmem:v2+s25+$0x80 ss:$0x1], $0xffff  }
0x60: {  	v25 =	vmin.f32 v25, v28;
	v7 =	vmax.f32 v14, v7;
	v14 =	vmax.f32 v31, v4;
	v22 =	vld.idx.msk [tilespmem:v2+s25+$0x300 ss:$0x1], $0xffff  }
0x61: {  	v31 =	vmin.f32 v31, v4;
	v17 =	vmax.f32 v18, v14;
	v7 =	vmax.f32 v7, v9;
	v28 =	vld.idx.msk [tilespmem:v2+s25+$0x0 ss:$0x1], $0xffff  }
0x62: {  	v5 =	vmin.f32 v5, v10;
	v10 =	vmin.f32 v18, v14;
	v7 =	vmax.f32 v31, v7;
	v9 =	vld.idx.msk [tilespmem:v2+s25+$0x180 ss:$0x1], $0xffff  }
0x63: {  	v13 =	vmax.f32 v15, v13;
	v5 =	vmin.f32 v11, v5;
	v7 =	vmax.f32 v10, v7;
	v31 =	vld.idx.msk [tilespmem:v2+s25+$0x280 ss:$0x1], $0xffff  }
0x64: {  	v11 =	vmin.f32 v27, v19;
	v32 =	vmin.f32 v20, v16;
	v5 =	vmin.f32 v13, v5;
	v10 =	vld.idx.msk [tilespmem:v2+s25+$0xFFFFFC80 ss:$0x1], $0xffff  }
0x65: {  	v15 =	vmax.f32 v20, v16;
	v4 =	vmin.f32 v5, v4;
	v14 =	vmax.f32 v27, v19;
	v13 =	vld.idx.msk [tilespmem:v2+s25+$0xFFFFFD80 ss:$0x1], $0xffff  }
0x66: {  	v11 =	vmax.f32 v11, v24;
	v4 =	vmin.f32 v30, v4;
	v18 =	vmin.f32 v21, v14;
	v16 =	vld.idx.msk [tilespmem:v2+s25+$0xFFFFFD00 ss:$0x1], $0xffff  }
0x67: {  	v5 =	vmin.f32 v23, v4;
	v20 =	vmax.f32 v28, v29;
	v24 =	vmin.f32 v28, v29;
	v19 =	vld.idx.msk [tilespmem:v2+s25+$0xFFFFFC00 ss:$0x1], $0xffff  }
0x68: {  	v21 =	vmax.f32 v21, v14;
	v27 =	vmax.f32 v18, v11;
	v4 =	vmax.f32 v34, v9;
	v23 =	vld.idx.msk [tilespmem:v2+s25+$0xFFFFFE80 ss:$0x1], $0xffff  }
0x69: {  	v9 =	vmin.f32 v34, v9;
	v34 =	vmin.f32 v15, v26;
	v18 =	vmax.f32 v20, v4;
	v28 =	vld.idx.msk [tilespmem:v2+s25+$0x380 ss:$0x1], $0xffff  }
0x6a: {  	v12 =	vmin.f32 v12, v1;
	v11 =	vmin.f32 v20, v4;
	v14 =	vmax.f32 v24, v9;
	v15 =	vld.idx.msk [tilespmem:v2+s25+$0xFFFFFF00 ss:$0x1], $0xffff  }
0x6b: {  	v4 =	vmax.f32 v11, v14;
	v20 =	vld.idx.msk [tilespmem:v2+s25+$0xFFFFFF80 ss:$0x1], $0xffff  }
0x6c: {  	v1 =	vmin.f32 v24, v9;
	v26 =	vmax.f32 v16, v13;
	v13 =	vmin.f32 v16, v13;
	v29 =	vld.idx.msk [tilespmem:v2+s25+$0xFFFFFE00 ss:$0x1], $0xffff  }
0x6d: {  	v9 =	vmin.f32 v11, v14;
	v16 =	vmax.f32 v19, v10;
	v10 =	vmin.f32 v19, v10;
	v19 =	vld.idx.msk [tilespmem:v2+s25+$0x200 ss:$0x1], $0xffff  }
0x6e: {  	v11 =	vmax.f32 v16, v26;
	v14 =	vmin.f32 v16, v26;
	v16 =	vmax.f32 v10, v13  }
0x6f: {  	v24 =	vmin.f32 v10, v13;
	v10 =	vmax.f32 v14, v16;
	v26 =	vmax.f32 v3, v11  }
0x70: {  	v16 =	vmin.f32 v14, v16;
	v30 =	vmin.f32 v22, v28;
	v3 =	vmax.f32 v26, v18  }
0x71: {  	v14 =	vmin.f32 v33, v11;
	v11 =	vmax.f32 v25, v16;
	v33 =	vmin.f32 v15, v20  }
0x72: {  	v20 =	vmax.f32 v15, v20;
	v35 =	vmax.f32 v29, v23;
	v23 =	vmin.f32 v29, v23  }
0x73: {  	v28 =	vmax.f32 v22, v28;
	v13 =	vmin.f32 v25, v16;
	v25 =	vmax.f32 v19, v31  }
0x74: {  	v22 =	vmin.f32 v35, v20;
	v29 =	vmin.f32 v23, v33;
	v36 =	vmin.f32 v25, v28  }
0x75: {  	v15 =	vmax.f32 v12, v24;
	v23 =	vmax.f32 v23, v33;
	v33 =	vmax.f32 v6, v29  }
0x76: {  	v18 =	vmin.f32 v26, v18;
	v35 =	vmax.f32 v35, v20;
	v37 =	vmax.f32 v22, v23  }
0x77: {  	v19 =	vmin.f32 v19, v31;
	v23 =	vmin.f32 v22, v23;
	v38 =	vmax.f32 v21, v37  }
0x78: {  	v22 =	vmax.f32 v17, v10;
	v20 =	vmin.f32 v32, v23;
	v31 =	vmax.f32 v32, v23  }
0x79: {  	v12 =	vmin.f32 v12, v24;
	v32 =	vmax.f32 v25, v28;
	v26 =	vmin.f32 v33, v20  }
0x7a: {  	v39 =	vmin.f32 v8, v35;
	v24 =	vmax.f32 v33, v20;
	v20 =	vmin.f32 v19, v30  }
0x7b: {  	v25 =	vmax.f32 v12, v1;
	v28 =	vmax.f32 v19, v30;
	v33 =	vmin.f32 v39, v38  }
0x7c: {  	v40 =	vmin.f32 v6, v29;
	v19 =	vmax.f32 v36, v28;
	v29 =	vmin.f32 v36, v28  }
0x7d: {  	v30 =	vmin.f32 v15, v13;
	v6 =	vmin.f32 v40, v20;
	v20 =	vmax.f32 v40, v20  }
.Ltmp4:
0x7e: {  	v21 =	vmin.f32 v21, v37;
	v23 =	vmax.f32 v27, v23;
	v28 =	vmin.f32 v30, v9;
	(pc) =	sbr.rel @p0 .LBB2_4-.Ltmp4, $4  }
0x7f: {  	v8 =	vmax.f32 v8, v35;
	v21 =	vmax.f32 v21, v23;
	v23 =	vmin.f32 v34, v37  }
0x80: {  	v27 =	vmax.f32 v33, v21;
	v23 =	vmin.f32 v31, v23;
	v21 =	vmin.f32 v8, v32  }
0x81: {  	v31 =	vmin.f32 v24, v23;
	v23 =	vmax.f32 v25, v28;
	v24 =	vmax.f32 v27, v29  }
0x82: {  	v17 =	vmin.f32 v17, v10;
	v8 =	vmax.f32 v8, v32;
	v27 =	vmax.f32 v39, v38  }
0x83: {  	v2 =	vmax.f32 v30, v9  }
0x84: {  	v43 =	vmax.f32 v26, v29;
	v31 =	vmin.f32 v31, v19;
	v7 =	vmax.f32 v7, v16  }
0x85: {  	v44 =	vmin.f32 v26, v29;
	v45 =	vmin.f32 v14, v22;
	v47 =	vmax.f32 v14, v22  }
0x86: {  	v25 =	vmin.f32 v25, v28;
	v5 =	vmin.f32 v5, v10;
	v49 =	vmax.f32 v15, v13  }
0x87: {  	v51 =	vmin.f32 v27, v19;
	v54 =	vmax.f32 v27, v19;
	v1 =	vmin.f32 v12, v1  }
0x88: {  	v58 =	vmax.f32 v3, v8;
	v3 =	vmin.f32 v3, v8;
	v7 =	vmax.f32 v17, v7  }
0x89: {  	v46 =	vmin.f32 v43, v31;
	v22 =	vmax.f32 v47, v4;
	v14 =	vmin.f32 v47, v4  }
0x8a: {  	v5 =	vmin.f32 v11, v5;
	v52 =	vmin.f32 v20, v44;
	v55 =	vmax.f32 v20, v44  }
0x8b: {  	v56 =	vmin.f32 v21, v54;
	v61 =	vmin.f32 v1, v6;
	v1 =	vmax.f32 v1, v6  }
0x8c: {  	v7 =	vmax.f32 v45, v7;
	v48 =	vmin.f32 v18, v22;
	v50 =	vmax.f32 v18, v22  }
0x8d: {  	s24 =	sadd.s32 s22, s23;
	v5 =	vmin.f32 v49, v5;
	v57 =	vmin.f32 v55, v46;
	v62 =	vmin.f32 v25, v52  }
0x8e: {  	s24 =	smul.u32 $0x180, s24;
	v7 =	vmax.f32 v7, v9;
	v53 =	vmin.f32 v5, v4;
	v9 =	vmax.f32 v51, v24  }
0x8f: {  	v5 =	vmax.f32 v21, v54;
	v7 =	vmax.f32 v14, v7;
	v2 =	vmin.f32 v2, v53  }
0x90: {  	s23 =	sadd.s32 $0x1, s23;
	s24 =	sshra.s32 s24, $0x2;
	v4 =	vmax.f32 v56, v9;
	v59 =	vmax.f32 v50, v5;
	v7 =	vmax.f32 v48, v7  }
0x91: {  	p0 =	sne.s32 s23, $0x8;
	v5 =	vmin.f32 v50, v5;
	[tilespmem:s24+$0x10000] =	vst v58;
	v2 =	vmin.f32 v23, v2;
	v4 =	vmax.f32 v7, v4  }
.Ltmp5:
0x92: {  	[tilespmem:s24+$0x10030] =	vst v61;
	v60 =	vmax.f32 v3, v59;
	v3 =	vmin.f32 v3, v59;
	v4 =	vmax.f32 v5, v4;
	(pc) =	sbr.rel @p0 .LBB2_3-.Ltmp5, $4  }
0x93: {  	v63 =	vmax.f32 v25, v52;
	[tilespmem:s24+$0x10010] =	vst v60;
	v2 =	vmin.f32 v2, v57;
	v3 =	vmax.f32 v3, v4  }
0x94: {  	v2 =	vmin.f32 v63, v2;
	[tilespmem:s24+$0x10020] =	vst v3;
	v3 =	vmin.f32 v1, v62;
	v1 =	vmax.f32 v1, v62  }
0x95: {  	v1 =	vmin.f32 v1, v2;
	[tilespmem:s24+$0x10040] =	vst v3  }
0x96: {  	s21 =	sadd.s32 $0x10, s21;
	[tilespmem:s24+$0x10050] =	vst v1  }
0x97: {  	p0 =	seq.s32 s16, $0xB  }
0x98: {  	s20 =	sadd.s32 @!p0 $0x2, s20  }
0x99: {  	s21 =	sshrl.u32 @!p0 s20, $0x2  }
0x9a: {  	s21 =	sadd.s32 @!p0 s2, s21  }
0x9b: {  	s21 =	smin.u32 @!p0 s21, $0xBF  }
0x9c: {  	s22 =	smulhi.u32 @!p0 $0x2AAAAAAB, s21  }
0x9d: {  	s20 =	sshll.u32 @!p0 s20, $0x5  }
0x9e: {  	s20 =	sand.u32 @!p0 $0x40, s20;
	s23 =	sshll.u32 @!p0 s22, $0x7;
	s22 =	smul.u32 @!p0 $0x6, s22  }
0x9f: {  	s20 =	sor.u32 @!p0 s20, s23  }
0xa0: {  	s20 =	smul.u32 @!p0 $0x1800, s20;
	s21 =	ssub.s32 @!p0 s21, s22  }
0xa1: {  	s21 =	sshll.u32 @!p0 s21, $0xA  }
0xa2: {  	s20 =	sor.u32 @!p0 s21, s20  }
0xa3: {  	s23 =	simm.s32 @!p0 $0x0;
	s20 =	sshrl.u32 @!p0 s20, $0x3  }
0xa4: {  	s22 =	simm.s32 @!p0 $0x1800;
	s21 =	simm.s32 @!p0 $0x400;
	s20 =	sadd.s32 @!p0 s3, s20  }
0xa5: {  	[tilespmem:s23], [sflag:$0x1] =	stream.strided.gather @!p0 [hbm4b:s20+s21], $0x8000, s22, s21, $0x38;
	[tilespmem:$0x10F00] =	vst v63  }
0xa6: {  	_ =	swait.ge [sflag:s12], $0x8000  }
0xa7: {  	s19 =	sshll.u32 s19, $0x3;
	[sflag:s12] =	ssyncset.done $0x0  }
0xa8: {  	s20 =	simm.s32 $0x0;
	s21 =	simm.s32 $0x8400;
	[sflag:s12] =	ssyncadd.s32 $0xFFFF8000  }
.LBB2_7:
0xa9: {  	v2 =	vmov s21;
	_ =	sdelay $0x3  }
0xaa: {  	s22 =	simm.s32 $0x0  }
0xab: {  	v1 =	vld.idx.msk [tilespmem:v2+s22+$0x100 ss:$0x1], $0xffff  }
0xac: {  	v3 =	vld.idx.msk [tilespmem:v2+s22+$0x80 ss:$0x1], $0xffff  }
0xad: {  	v6 =	vld.idx.msk [tilespmem:v2+s22+$0x300 ss:$0x1], $0xffff  }
0xae: {  	v4 =	vld.idx.msk [tilespmem:v2+s22+$0x0 ss:$0x1], $0xffff  }
0xaf: {  	v5 =	vld.idx.msk [tilespmem:v2+s22+$0x180 ss:$0x1], $0xffff  }
0xb0: {  	v9 =	vld.idx.msk [tilespmem:v2+s22+$0xFFFFFC80 ss:$0x1], $0xffff  }
0xb1: {  	v10 =	vld.idx.msk [tilespmem:v2+s22+$0xFFFFFD80 ss:$0x1], $0xffff  }
0xb2: {  	v11 =	vld.idx.msk [tilespmem:v2+s22+$0xFFFFFD00 ss:$0x1], $0xffff  }
0xb3: {  	v12 =	vld.idx.msk [tilespmem:v2+s22+$0xFFFFFC00 ss:$0x1], $0xffff  }
0xb4: {  	v15 =	vld.idx.msk [tilespmem:v2+s22+$0xFFFFFE80 ss:$0x1], $0xffff  }
0xb5: {  	v17 =	vld.idx.msk [tilespmem:v2+s22+$0x380 ss:$0x1], $0xffff  }
0xb6: {  	v21 =	vld.idx.msk [tilespmem:v2+s22+$0xFFFFFE00 ss:$0x1], $0xffff  }
0xb7: {  	v7 =	vimm.f32 $-Inf  }
0xb8: {  	v13 =	vmax.f32 v4, v3;
	v3 =	vmin.f32 v4, v3;
	v4 =	vmax.f32 v1, v5  }
0xb9: {  	v1 =	vmin.f32 v1, v5;
	v5 =	vimm.f32 $+Inf;
	v20 =	vmax.f32 v11, v10  }
0xba: {  	v10 =	vmin.f32 v11, v10;
	v11 =	vmin.f32 v12, v9;
	v23 =	vmin.f32 v6, v17  }
0xbb: {  	v8 =	vld.idx.msk [tilespmem:v2+s22+$0x280 ss:$0x1], $0xffff;
	v25 =	vmax.f32 v21, v15;
	v21 =	vmin.f32 v21, v15;
	v14 =	vmin.f32 v13, v4  }
0xbc: {  	v19 =	vld.idx.msk [tilespmem:v2+s22+$0xFFFFFF80 ss:$0x1], $0xffff;
	v16 =	vmax.f32 v3, v1;
	v18 =	vmax.f32 v13, v4;
	v1 =	vmin.f32 v3, v1  }
0xbd: {  	v13 =	vld.idx.msk [tilespmem:v2+s22+$0xFFFFFF00 ss:$0x1], $0xffff;
	v3 =	vmax.f32 v12, v9;
	v4 =	vmax.f32 v14, v16;
	v9 =	vmin.f32 v14, v16  }
0xbe: {  	v12 =	vld.idx.msk [tilespmem:v2+s22+$0x200 ss:$0x1], $0xffff;
	v14 =	vmax.f32 v3, v20;
	v3 =	vmin.f32 v3, v20;
	v16 =	vmax.f32 v11, v10  }
0xbf: {  	v6 =	vmax.f32 v6, v17;
	v20 =	vmin.f32 v11, v10;
	v10 =	vmax.f32 v3, v16  }
0xc0: {  	v22 =	vmax.f32 v7, v14;
	v16 =	vmin.f32 v3, v16;
	v14 =	vmin.f32 v7, v14  }
0xc1: {  	v15 =	vmax.f32 v5, v20;
	v3 =	vmax.f32 v22, v18;
	v11 =	vmax.f32 v5, v16  }
0xc2: {  	v18 =	vmin.f32 v22, v18;
	v22 =	vmax.f32 v7, v10;
	v24 =	vmin.f32 v13, v19  }
0xc3: {  	v19 =	vmax.f32 v13, v19;
	v13 =	vmin.f32 v5, v16;
	v27 =	vmax.f32 v12, v8  }
0xc4: {  	v8 =	vmin.f32 v12, v8;
	v12 =	vmin.f32 v5, v20;
	v17 =	vmin.f32 v25, v19  }
0xc5: {  	v28 =	vmin.f32 v21, v24;
	v29 =	vmin.f32 v27, v6;
	v21 =	vmax.f32 v21, v24  }
0xc6: {  	v31 =	vmax.f32 v25, v19;
	v34 =	vmax.f32 v27, v6;
	v20 =	vmin.f32 v8, v23  }
0xc7: {  	v25 =	vmax.f32 v12, v1;
	v6 =	vmax.f32 v8, v23;
	v30 =	vmin.f32 v15, v13  }
0xc8: {  	v24 =	vmax.f32 v5, v28;
	v32 =	vmax.f32 v17, v21;
	v17 =	vmin.f32 v17, v21  }
0xc9: {  	v27 =	vmin.f32 v7, v31;
	v8 =	vmin.f32 v5, v28;
	v28 =	vmin.f32 v30, v9  }
0xca: {  	v36 =	vmax.f32 v7, v31;
	v33 =	vmax.f32 v7, v32;
	v19 =	vmin.f32 v5, v17  }
0xcb: {  	v21 =	vmax.f32 v5, v17;
	v17 =	vmax.f32 v7, v17;
	v26 =	vmin.f32 v24, v19  }
0xcc: {  	v24 =	vmax.f32 v24, v19;
	v19 =	vmax.f32 v29, v6;
	v29 =	vmin.f32 v29, v6  }
0xcd: {  	v6 =	vmin.f32 v8, v20;
	v20 =	vmax.f32 v8, v20;
	v8 =	vmin.f32 v7, v32  }
0xce: {  	v23 =	vmax.f32 v25, v28;
	v8 =	vmax.f32 v8, v17;
	v17 =	vmin.f32 v5, v32  }
0xcf: {  	v35 =	vmin.f32 v27, v33;
	v27 =	vmax.f32 v27, v33;
	v17 =	vmin.f32 v21, v17  }
0xd0: {  	v8 =	vmax.f32 v35, v8;
	v21 =	vmin.f32 v36, v34;
	v31 =	vmin.f32 v24, v17  }
0xd1: {  	s22 =	simm.s32 $0x2000;
	v24 =	vmax.f32 v8, v29;
	v17 =	vmin.f32 v7, v10;
	v8 =	vmax.f32 v36, v34  }
.LBB2_8:
0xd2: {  	s23 =	sshra.s32 s22, $0x2;
	p0 =	sne.s32 s22, $0x1E000;
	s22 =	sadd.s32 $0x2000, s22;
	v30 =	vmax.f32 v30, v9;
	v32 =	vmax.f32 v26, v29;
	v31 =	vmin.f32 v31, v19;
	v33 =	vmovc v3  }
0xd3: {  	v7 =	vmax.f32 v7, v16;
	v16 =	vmin.f32 v26, v29;
	v34 =	vld.idx.msk [tilespmem:v2+s23+$0x100 ss:$0x1], $0xffff;
	v26 =	vmin.f32 v32, v31  }
0xd4: {  	v31 =	vmax.f32 v14, v22;
	v14 =	vmin.f32 v14, v22;
	v7 =	vmax.f32 v17, v7;
	v29 =	vld.idx.msk [tilespmem:v2+s23+$0x80 ss:$0x1], $0xffff  }
0xd5: {  	v25 =	vmin.f32 v25, v28;
	v7 =	vmax.f32 v14, v7;
	v14 =	vmax.f32 v31, v4;
	v22 =	vld.idx.msk [tilespmem:v2+s23+$0x300 ss:$0x1], $0xffff  }
0xd6: {  	v31 =	vmin.f32 v31, v4;
	v17 =	vmax.f32 v18, v14;
	v7 =	vmax.f32 v7, v9;
	v28 =	vld.idx.msk [tilespmem:v2+s23+$0x0 ss:$0x1], $0xffff  }
0xd7: {  	v5 =	vmin.f32 v5, v10;
	v10 =	vmin.f32 v18, v14;
	v7 =	vmax.f32 v31, v7;
	v9 =	vld.idx.msk [tilespmem:v2+s23+$0x180 ss:$0x1], $0xffff  }
0xd8: {  	v13 =	vmax.f32 v15, v13;
	v5 =	vmin.f32 v11, v5;
	v7 =	vmax.f32 v10, v7;
	v31 =	vld.idx.msk [tilespmem:v2+s23+$0x280 ss:$0x1], $0xffff  }
0xd9: {  	v11 =	vmin.f32 v27, v19;
	v32 =	vmin.f32 v20, v16;
	v5 =	vmin.f32 v13, v5;
	v10 =	vld.idx.msk [tilespmem:v2+s23+$0xFFFFFC80 ss:$0x1], $0xffff  }
0xda: {  	v15 =	vmax.f32 v20, v16;
	v4 =	vmin.f32 v5, v4;
	v14 =	vmax.f32 v27, v19;
	v13 =	vld.idx.msk [tilespmem:v2+s23+$0xFFFFFD80 ss:$0x1], $0xffff  }
0xdb: {  	v11 =	vmax.f32 v11, v24;
	v4 =	vmin.f32 v30, v4;
	v18 =	vmin.f32 v21, v14;
	v16 =	vld.idx.msk [tilespmem:v2+s23+$0xFFFFFD00 ss:$0x1], $0xffff  }
0xdc: {  	v5 =	vmin.f32 v23, v4;
	v20 =	vmax.f32 v28, v29;
	v24 =	vmin.f32 v28, v29;
	v19 =	vld.idx.msk [tilespmem:v2+s23+$0xFFFFFC00 ss:$0x1], $0xffff  }
0xdd: {  	v21 =	vmax.f32 v21, v14;
	v27 =	vmax.f32 v18, v11;
	v4 =	vmax.f32 v34, v9;
	v23 =	vld.idx.msk [tilespmem:v2+s23+$0xFFFFFE80 ss:$0x1], $0xffff  }
0xde: {  	v9 =	vmin.f32 v34, v9;
	v34 =	vmin.f32 v15, v26;
	v18 =	vmax.f32 v20, v4;
	v28 =	vld.idx.msk [tilespmem:v2+s23+$0x380 ss:$0x1], $0xffff  }
0xdf: {  	v12 =	vmin.f32 v12, v1;
	v11 =	vmin.f32 v20, v4;
	v14 =	vmax.f32 v24, v9;
	v15 =	vld.idx.msk [tilespmem:v2+s23+$0xFFFFFF00 ss:$0x1], $0xffff  }
0xe0: {  	v4 =	vmax.f32 v11, v14;
	v20 =	vld.idx.msk [tilespmem:v2+s23+$0xFFFFFF80 ss:$0x1], $0xffff  }
0xe1: {  	v1 =	vmin.f32 v24, v9;
	v26 =	vmax.f32 v16, v13;
	v13 =	vmin.f32 v16, v13;
	v29 =	vld.idx.msk [tilespmem:v2+s23+$0xFFFFFE00 ss:$0x1], $0xffff  }
0xe2: {  	v9 =	vmin.f32 v11, v14;
	v16 =	vmax.f32 v19, v10;
	v10 =	vmin.f32 v19, v10;
	v19 =	vld.idx.msk [tilespmem:v2+s23+$0x200 ss:$0x1], $0xffff  }
0xe3: {  	v11 =	vmax.f32 v16, v26;
	v14 =	vmin.f32 v16, v26;
	v16 =	vmax.f32 v10, v13  }
0xe4: {  	v24 =	vmin.f32 v10, v13;
	v10 =	vmax.f32 v14, v16;
	v26 =	vmax.f32 v3, v11  }
0xe5: {  	v16 =	vmin.f32 v14, v16;
	v30 =	vmin.f32 v22, v28;
	v3 =	vmax.f32 v26, v18  }
0xe6: {  	v14 =	vmin.f32 v33, v11;
	v11 =	vmax.f32 v25, v16;
	v33 =	vmin.f32 v15, v20  }
0xe7: {  	v20 =	vmax.f32 v15, v20;
	v35 =	vmax.f32 v29, v23;
	v23 =	vmin.f32 v29, v23  }
0xe8: {  	v28 =	vmax.f32 v22, v28;
	v13 =	vmin.f32 v25, v16;
	v25 =	vmax.f32 v19, v31  }
0xe9: {  	v22 =	vmin.f32 v35, v20;
	v29 =	vmin.f32 v23, v33;
	v36 =	vmin.f32 v25, v28  }
0xea: {  	v15 =	vmax.f32 v12, v24;
	v23 =	vmax.f32 v23, v33;
	v33 =	vmax.f32 v6, v29  }
0xeb: {  	v18 =	vmin.f32 v26, v18;
	v35 =	vmax.f32 v35, v20;
	v37 =	vmax.f32 v22, v23  }
0xec: {  	v19 =	vmin.f32 v19, v31;
	v23 =	vmin.f32 v22, v23;
	v38 =	vmax.f32 v21, v37  }
0xed: {  	v22 =	vmax.f32 v17, v10;
	v20 =	vmin.f32 v32, v23;
	v31 =	vmax.f32 v32, v23  }
0xee: {  	v12 =	vmin.f32 v12, v24;
	v32 =	vmax.f32 v25, v28;
	v26 =	vmin.f32 v33, v20  }
0xef: {  	v39 =	vmin.f32 v8, v35;
	v24 =	vmax.f32 v33, v20;
	v20 =	vmin.f32 v19, v30  }
0xf0: {  	v25 =	vmax.f32 v12, v1;
	v28 =	vmax.f32 v19, v30;
	v33 =	vmin.f32 v39, v38  }
0xf1: {  	v40 =	vmin.f32 v6, v29;
	v19 =	vmax.f32 v36, v28;
	v29 =	vmin.f32 v36, v28  }
0xf2: {  	v30 =	vmin.f32 v15, v13;
	v6 =	vmin.f32 v40, v20;
	v20 =	vmax.f32 v40, v20  }
.Ltmp6:
0xf3: {  	v21 =	vmin.f32 v21, v37;
	v23 =	vmax.f32 v27, v23;
	v28 =	vmin.f32 v30, v9;
	(pc) =	sbr.rel @p0 .LBB2_8-.Ltmp6, $4  }
0xf4: {  	v8 =	vmax.f32 v8, v35;
	v21 =	vmax.f32 v21, v23;
	v23 =	vmin.f32 v34, v37  }
0xf5: {  	v27 =	vmax.f32 v33, v21;
	v23 =	vmin.f32 v31, v23;
	v21 =	vmin.f32 v8, v32  }
0xf6: {  	v31 =	vmin.f32 v24, v23;
	v23 =	vmax.f32 v25, v28;
	v24 =	vmax.f32 v27, v29  }
0xf7: {  	v17 =	vmin.f32 v17, v10;
	v8 =	vmax.f32 v8, v32;
	v27 =	vmax.f32 v39, v38  }
0xf8: {  	v2 =	vmax.f32 v30, v9  }
0xf9: {  	v43 =	vmax.f32 v26, v29;
	v31 =	vmin.f32 v31, v19;
	v7 =	vmax.f32 v7, v16  }
0xfa: {  	v44 =	vmin.f32 v26, v29;
	v45 =	vmin.f32 v14, v22;
	v47 =	vmax.f32 v14, v22  }
0xfb: {  	v25 =	vmin.f32 v25, v28;
	v5 =	vmin.f32 v5, v10;
	v49 =	vmax.f32 v15, v13  }
0xfc: {  	v51 =	vmin.f32 v27, v19;
	v54 =	vmax.f32 v27, v19;
	v1 =	vmin.f32 v12, v1  }
0xfd: {  	v58 =	vmax.f32 v3, v8;
	v3 =	vmin.f32 v3, v8;
	v7 =	vmax.f32 v17, v7  }
0xfe: {  	v46 =	vmin.f32 v43, v31;
	v22 =	vmax.f32 v47, v4;
	v14 =	vmin.f32 v47, v4  }
0xff: {  	v5 =	vmin.f32 v11, v5;
	v52 =	vmin.f32 v20, v44;
	v55 =	vmax.f32 v20, v44  }
0x100: {  	v56 =	vmin.f32 v21, v54;
	v61 =	vmin.f32 v1, v6;
	v1 =	vmax.f32 v1, v6  }
0x101: {  	v7 =	vmax.f32 v45, v7;
	v48 =	vmin.f32 v18, v22;
	v50 =	vmax.f32 v18, v22  }
0x102: {  	s22 =	sadd.s32 s19, s20;
	v5 =	vmin.f32 v49, v5;
	v57 =	vmin.f32 v55, v46;
	v62 =	vmin.f32 v25, v52  }
0x103: {  	s22 =	smul.u32 $0x180, s22;
	v7 =	vmax.f32 v7, v9;
	v53 =	vmin.f32 v5, v4;
	v9 =	vmax.f32 v51, v24  }
0x104: {  	v5 =	vmax.f32 v21, v54;
	v7 =	vmax.f32 v14, v7;
	v2 =	vmin.f32 v2, v53  }
0x105: {  	s20 =	sadd.s32 $0x1, s20;
	s22 =	sshra.s32 s22, $0x2;
	v4 =	vmax.f32 v56, v9;
	v59 =	vmax.f32 v50, v5;
	v7 =	vmax.f32 v48, v7  }
0x106: {  	p0 =	sne.s32 s20, $0x8;
	v5 =	vmin.f32 v50, v5;
	[tilespmem:s22+$0x10000] =	vst v58;
	v2 =	vmin.f32 v23, v2;
	v4 =	vmax.f32 v7, v4  }
.Ltmp7:
0x107: {  	[tilespmem:s22+$0x10030] =	vst v61;
	v60 =	vmax.f32 v3, v59;
	v3 =	vmin.f32 v3, v59;
	v4 =	vmax.f32 v5, v4;
	(pc) =	sbr.rel @p0 .LBB2_7-.Ltmp7, $4  }
0x108: {  	v63 =	vmax.f32 v25, v52;
	[tilespmem:s22+$0x10010] =	vst v60;
	v2 =	vmin.f32 v2, v57;
	v3 =	vmax.f32 v3, v4  }
0x109: {  	v2 =	vmin.f32 v63, v2;
	[tilespmem:s22+$0x10020] =	vst v3;
	v3 =	vmin.f32 v1, v62;
	v1 =	vmax.f32 v1, v62  }
0x10a: {  	v1 =	vmin.f32 v1, v2;
	[tilespmem:s22+$0x10040] =	vst v3  }
0x10b: {  	s21 =	sadd.s32 $0x10, s21;
	[tilespmem:s22+$0x10050] =	vst v1  }
0x10c: {  	p0 =	seq.s32 s18, $0x0  }
.Ltmp8:
0x10d: {  	_ = 	snop;
	(pc) =	sbr.rel @p0 .LBB2_14-.Ltmp8, $1  }
0x10e: {  	_ =	sdelay $0x3  }
0x10f: {  	s18 =	simm.s32 $0x10610  }
0x110: {  	v1 =	vld [tilespmem:s18+$0x310]  }
0x111: {  	v2 =	vld [tilespmem:s18+$0xFFFFFA10]  }
0x112: {  	v3 =	vld [tilespmem:s18+$0xFFFFFD10]  }
0x113: {  	v4 =	vld [tilespmem:s18+$0xFFFFFA40]  }
0x114: {  	v5 =	vld [tilespmem:s18+$0xFFFFFD40]  }
0x115: {  	v6 =	vld [tilespmem:s18+$0xFFFFFD00]  }
0x116: {  	v7 =	vld [tilespmem:s18+$0xFFFFFA00]  }
0x117: {  	v8 =	vld [tilespmem:s18+$0xFFFFFD30]  }
0x118: {  	s19 =	simm.s32 $0x0;
	v9 =	vld [tilespmem:s18+$0xFFFFFA30]  }
0x119: {  	s19 =	sand.u32 $0x3E0, s19;
	v11 =	vld [tilespmem:s18+$0xFFFFF9F0]  }
0x11a: {  	v10 =	vld [tilespmem:s19+$0x10300]  }
0x11b: {  	v12 =	vld [tilespmem:s19+$0x10600]  }
0x11c: {  	v13 =	vld [tilespmem:s19+$0x10900]  }
0x11d: {  	v14 =	vmin.f32 v7, v6;
	v2 =	vmax.f32 v2, v3;
	v3 =	vmin.f32 v4, v5;
	v4 =	vld [tilespmem:s18+$0x0]  }
0x11e: {  	v5 =	vmax.f32 v7, v6;
	v6 =	vmax.f32 v9, v8;
	v7 =	vld [tilespmem:s18+$0x10];
	v8 =	vmin.f32 v9, v8  }
0x11f: {  	v2 =	vmax.f32 v14, v2;
	v14 =	vmax.f32 v11, v10;
	v3 =	vmin.f32 v6, v3;
	v6 =	vld [tilespmem:s18+$0x300]  }
0x120: {  	v16 =	vld [tilespmem:s18+$0xFFFFFA20];
	v9 =	vmin.f32 v11, v10;
	v10 =	vmax.f32 v14, v12;
	v11 =	vmin.f32 v14, v12  }
0x121: {  	v14 =	vmax.f32 v9, v5;
	v5 =	vmin.f32 v9, v5;
	v9 =	vld [tilespmem:s18+$0xFFFFFD20];
	v15 =	vmax.f32 v10, v13  }
0x122: {  	v12 =	vld [tilespmem:s18+$0x320];
	v2 =	vmax.f32 v5, v2;
	v10 =	vmin.f32 v10, v13;
	v5 =	vmax.f32 v14, v4  }
0x123: {  	v4 =	vmin.f32 v14, v4;
	v2 =	vmax.f32 v2, v7;
	v7 =	vld [tilespmem:s18+$0x20];
	v13 =	vmax.f32 v11, v5  }
0x124: {  	v5 =	vmin.f32 v11, v5;
	v2 =	vmax.f32 v4, v2;
	v4 =	vld [tilespmem:s18+$0x40];
	v11 =	vmax.f32 v13, v6  }
0x125: {  	v2 =	vmax.f32 v5, v2;
	v5 =	vld [tilespmem:s18+$0x30];
	v6 =	vmin.f32 v13, v6;
	v14 =	vmax.f32 v10, v11  }
0x126: {  	v10 =	vmin.f32 v10, v11;
	v1 =	vmax.f32 v2, v1;
	v11 =	vmin.f32 v16, v9  }
0x127: {  	v9 =	vmax.f32 v16, v9;
	v2 =	vadd.f32 v14, v15;
	v1 =	vmax.f32 v6, v1;
	v6 =	vld [tilespmem:s18+$0x330]  }
0x128: {  	v13 =	vmax.f32 v9, v8;
	v14 =	vmin.f32 v11, v7;
	v7 =	vmax.f32 v11, v7;
	v11 =	vld [tilespmem:s18+$0x340]  }
0x129: {  	v8 =	vmin.f32 v9, v8;
	v3 =	vmin.f32 v13, v3;
	v9 =	vmin.f32 v14, v12  }
0x12a: {  	v3 =	vmin.f32 v3, v4;
	v13 =	vmin.f32 v8, v5;
	v5 =	vmax.f32 v8, v5  }
0x12b: {  	v4 =	vmin.f32 v7, v13;
	v7 =	vmax.f32 v7, v13;
	v3 =	vmin.f32 v5, v3  }
0x12c: {  	v5 =	vmax.f32 v14, v12;
	v3 =	vmin.f32 v7, v3;
	v7 =	vmin.f32 v4, v6  }
0x12d: {  	v4 =	vmax.f32 v4, v6;
	v8 =	vmin.f32 v5, v7;
	v3 =	vmin.f32 v3, v11  }
0x12e: {  	v5 =	vmax.f32 v5, v7;
	v3 =	vmin.f32 v4, v3;
	v4 =	vadd.f32 v8, v9  }
0x12f: {  	v1 =	vmax.f32 v10, v1;
	v3 =	vmin.f32 v5, v3  }
0x130: {  	v1 =	vadd.f32 v1, v2;
	v2 =	vadd.f32 v3, v4;
	_ =	sdelay $0x1  }
0x131: {  	v1 =	vmul.f32 v1, v0;
	v2 =	vmul.f32 $2.333333340e-01, v2;
	_ =	sdelay $0x1  }
0x132: {  	v1 =	vadd.f32 v2, v1;
	_ =	sdelay $0x1  }
0x133: {  	v1 =	vmul.f32 $5.000000000e-01, v1;
	_ =	sdelay $0x1  }
0x134: {  	s18 =	simm.s32 $0x10670;
	[tilespmem:s17+$0x0] =	vst v1  }
0x135: {  	v2 =	vld [tilespmem:s18+$0xFFFFFA10]  }
0x136: {  	v3 =	vld [tilespmem:s18+$0xFFFFFD10]  }
0x137: {  	v4 =	vld [tilespmem:s18+$0xFFFFFA40]  }
0x138: {  	v6 =	vld [tilespmem:s18+$0xFFFFFD40]  }
0x139: {  	v8 =	vld [tilespmem:s18+$0xFFFFFD00]  }
0x13a: {  	v9 =	vld [tilespmem:s18+$0xFFFFFA00]  }
0x13b: {  	s31 =	simm.s32 $0x60;
	v10 =	vld [tilespmem:s18+$0xFFFFFD30]  }
0x13c: {  	s19 =	sand.u32 $0x3E0, s31;
	v12 =	vld [tilespmem:s18+$0xFFFFFA30]  }
0x13d: {  	v13 =	vld [tilespmem:s19+$0x10300]  }
0x13e: {  	v14 =	vld [tilespmem:s18+$0xFFFFF9F0]  }
0x13f: {  	v1 =	vld [tilespmem:s18+$0x310]  }
0x140: {  	v15 =	vld [tilespmem:s19+$0x10600]  }
0x141: {  	v5 =	vld [tilespmem:s19+$0x10900]  }
0x142: {  	v7 =	vld [tilespmem:s18+$0x0];
	v11 =	vmin.f32 v9, v8;
	v2 =	vmax.f32 v2, v3;
	v4 =	vmin.f32 v4, v6  }
0x143: {  	v8 =	vmax.f32 v9, v8;
	v9 =	vld [tilespmem:s18+$0x10];
	v16 =	vmax.f32 v14, v13;
	v3 =	vmin.f32 v12, v10  }
0x144: {  	v6 =	vld [tilespmem:s18+$0x300];
	v11 =	vmax.f32 v11, v2;
	v2 =	vmax.f32 v12, v10;
	v10 =	vmin.f32 v14, v13  }
0x145: {  	v13 =	vmax.f32 v16, v15;
	v12 =	vmin.f32 v16, v15;
	v4 =	vmin.f32 v2, v4;
	v2 =	vld [tilespmem:s18+$0x320]  }
0x146: {  	s19 =	simm.s32 $0xC0;
	v14 =	vmax.f32 v10, v8;
	v15 =	vmin.f32 v10, v8;
	v8 =	vld [tilespmem:s18+$0xFFFFFD20];
	v10 =	vmax.f32 v13, v5  }
.LBB2_12:
0x147: {  	p0 =	sne.s32 s19, $0x2A0;
	v16 =	vld [tilespmem:s18+$0xFFFFFA20];
	v11 =	vmax.f32 v15, v11;
	v15 =	vmax.f32 v14, v7;
	v5 =	vmin.f32 v13, v5  }
0x148: {  	v7 =	vmin.f32 v14, v7;
	v13 =	vmax.f32 v12, v15;
	v9 =	vmax.f32 v11, v9;
	v11 =	vld [tilespmem:s18+$0x20]  }
0x149: {  	v12 =	vmin.f32 v12, v15;
	v7 =	vmax.f32 v7, v9;
	v9 =	vld [tilespmem:s18+$0x40];
	v14 =	vmax.f32 v13, v6  }
0x14a: {  	v6 =	vmin.f32 v13, v6;
	v7 =	vmax.f32 v12, v7;
	v12 =	vld [tilespmem:s18+$0x30];
	v15 =	vmax.f32 v5, v14  }
0x14b: {  	v5 =	vmin.f32 v5, v14;
	v1 =	vmax.f32 v7, v1;
	v7 =	vadd.f32 v15, v10  }
0x14c: {  	v10 =	vmin.f32 v16, v8;
	v8 =	vmax.f32 v16, v8;
	v1 =	vmax.f32 v6, v1;
	v6 =	vld [tilespmem:s18+$0x330]  }
0x14d: {  	v13 =	vmax.f32 v8, v3;
	v14 =	vmin.f32 v10, v11;
	v10 =	vmax.f32 v10, v11;
	v11 =	vld [tilespmem:s18+$0x340]  }
0x14e: {  	v3 =	vmin.f32 v8, v3;
	v4 =	vmin.f32 v13, v4;
	v8 =	vmin.f32 v14, v2  }
0x14f: {  	v13 =	vmin.f32 v3, v12;
	v3 =	vmax.f32 v3, v12;
	v4 =	vmin.f32 v4, v9  }
0x150: {  	v9 =	vmin.f32 v10, v13;
	v10 =	vmax.f32 v10, v13;
	v3 =	vmin.f32 v3, v4  }
0x151: {  	v2 =	vmax.f32 v14, v2;
	v3 =	vmin.f32 v10, v3;
	v4 =	vmin.f32 v9, v6  }
0x152: {  	v6 =	vmax.f32 v9, v6;
	v10 =	vmin.f32 v2, v4;
	v3 =	vmin.f32 v3, v11  }
0x153: {  	v2 =	vmax.f32 v2, v4;
	v3 =	vmin.f32 v6, v3;
	v4 =	vadd.f32 v10, v8  }
0x154: {  	v1 =	vmax.f32 v5, v1;
	v2 =	vmin.f32 v2, v3  }
0x155: {  	v1 =	vadd.f32 v1, v7;
	v2 =	vadd.f32 v2, v4;
	_ =	sdelay $0x1  }
0x156: {  	v1 =	vmul.f32 v1, v0;
	v2 =	vmul.f32 $2.333333340e-01, v2;
	_ =	sdelay $0x1  }
0x157: {  	v1 =	vadd.f32 v2, v1;
	_ =	sdelay $0x1  }
0x158: {  	v1 =	vmul.f32 $5.000000000e-01, v1  }
0x159: {  	s17 =	sadd.s32 $0x10, s17  }
0x15a: {  	s18 =	sadd.s32 $0x60, s18;
	[tilespmem:s17+$0x0] =	vst v1  }
0x15b: {  	v1 =	vld [tilespmem:s18+$0x310]  }
0x15c: {  	v2 =	vld [tilespmem:s18+$0xFFFFFA10]  }
0x15d: {  	v3 =	vld [tilespmem:s18+$0xFFFFFD10]  }
0x15e: {  	v4 =	vld [tilespmem:s18+$0xFFFFFA40]  }
0x15f: {  	v6 =	vld [tilespmem:s18+$0xFFFFFD40]  }
0x160: {  	v8 =	vld [tilespmem:s18+$0xFFFFFD00]  }
0x161: {  	v9 =	vld [tilespmem:s18+$0xFFFFFA00]  }
0x162: {  	v10 =	vld [tilespmem:s18+$0xFFFFFD30]  }
0x163: {  	s20 =	sand.u32 $0x3E0, s19;
	v12 =	vld [tilespmem:s18+$0xFFFFFA30]  }
0x164: {  	v13 =	vld [tilespmem:s20+$0x10300]  }
0x165: {  	v14 =	vld [tilespmem:s18+$0xFFFFF9F0]  }
0x166: {  	v15 =	vld [tilespmem:s20+$0x10600]  }
0x167: {  	v5 =	vld [tilespmem:s20+$0x10900]  }
.Ltmp9:
0x168: {  	v2 =	vmax.f32 v2, v3;
	v4 =	vmin.f32 v4, v6;
	v11 =	vmin.f32 v9, v8;
	v7 =	vld [tilespmem:s18+$0x0];
	(pc) =	sbr.rel @p0 .LBB2_12-.Ltmp9, $4  }
0x169: {  	v8 =	vmax.f32 v9, v8;
	v11 =	vmax.f32 v11, v2;
	v2 =	vmax.f32 v12, v10;
	v9 =	vld [tilespmem:s18+$0x10]  }
0x16a: {  	v3 =	vmin.f32 v12, v10;
	v4 =	vmin.f32 v2, v4;
	v16 =	vmax.f32 v14, v13;
	v6 =	vld [tilespmem:s18+$0x300]  }
0x16b: {  	v10 =	vmin.f32 v14, v13;
	v13 =	vmax.f32 v16, v15;
	v12 =	vmin.f32 v16, v15;
	v2 =	vld [tilespmem:s18+$0x320]  }
0x16c: {  	s19 =	sadd.s32 $0x60, s19;
	v14 =	vmax.f32 v10, v8;
	v15 =	vmin.f32 v10, v8;
	v8 =	vld [tilespmem:s18+$0xFFFFFD20];
	v10 =	vmax.f32 v13, v5  }
0x16d: {  	v16 =	vld [tilespmem:s18+$0xFFFFFA20];
	v11 =	vmax.f32 v15, v11;
	v41 =	vmax.f32 v14, v7;
	v5 =	vmin.f32 v13, v5  }
0x16e: {  	v43 =	vmin.f32 v14, v7;
	v44 =	vld [tilespmem:s18+$0x20];
	v42 =	vmax.f32 v12, v41;
	v9 =	vmax.f32 v11, v9  }
0x16f: {  	v46 =	vld [tilespmem:s18+$0x40];
	v45 =	vmin.f32 v12, v41;
	v7 =	vmax.f32 v43, v9;
	v47 =	vmax.f32 v42, v6  }
0x170: {  	v48 =	vld [tilespmem:s18+$0x30];
	v50 =	vmin.f32 v42, v6;
	v7 =	vmax.f32 v45, v7;
	v49 =	vmax.f32 v5, v47  }
0x171: {  	v5 =	vmin.f32 v5, v47;
	v1 =	vmax.f32 v7, v1;
	v51 =	vadd.f32 v49, v10  }
0x172: {  	v54 =	vld [tilespmem:s18+$0x330];
	v52 =	vmin.f32 v16, v8;
	v53 =	vmax.f32 v16, v8;
	v1 =	vmax.f32 v50, v1  }
0x173: {  	v57 =	vld [tilespmem:s18+$0x340];
	v55 =	vmax.f32 v53, v3;
	v56 =	vmin.f32 v52, v44;
	v10 =	vmax.f32 v52, v44  }
0x174: {  	v3 =	vmin.f32 v53, v3;
	v4 =	vmin.f32 v55, v4;
	v58 =	vmin.f32 v56, v2  }
0x175: {  	v59 =	vmin.f32 v3, v48;
	v3 =	vmax.f32 v3, v48;
	v4 =	vmin.f32 v4, v46  }
0x176: {  	v60 =	vmin.f32 v10, v59;
	v10 =	vmax.f32 v10, v59;
	v3 =	vmin.f32 v3, v4  }
0x177: {  	v2 =	vmax.f32 v56, v2;
	v61 =	vmin.f32 v60, v54;
	v3 =	vmin.f32 v10, v3  }
0x178: {  	v6 =	vmax.f32 v60, v54;
	v62 =	vmin.f32 v2, v61;
	v3 =	vmin.f32 v3, v57  }
0x179: {  	v2 =	vmax.f32 v2, v61;
	v63 =	vadd.f32 v62, v58;
	v3 =	vmin.f32 v6, v3  }
0x17a: {  	v1 =	vmax.f32 v5, v1;
	v2 =	vmin.f32 v2, v3  }
0x17b: {  	v1 =	vadd.f32 v1, v51;
	v2 =	vadd.f32 v2, v63;
	_ =	sdelay $0x1  }
0x17c: {  	v1 =	vmul.f32 v1, v0;
	v2 =	vmul.f32 $2.333333340e-01, v2;
	_ =	sdelay $0x1  }
.Ltmp10:
0x17d: {  	v1 =	vadd.f32 v2, v1;
	(pc) =	sbr.rel .LBB2_14-.Ltmp10, $4  }
0x17e: {  	_ = 	snop  }
0x17f: {  	v1 =	vmul.f32 $5.000000000e-01, v1  }
0x180: {  	s17 =	sadd.s32 $0x10, s17  }
0x181: {  	[tilespmem:s17+$0x0] =	vst v1  }
.LBB2_16:
0x182: {  	_ =	sfence.sel $0x180000  }
0x183: {  	[bflag:$0x0] =	sbarrier.arrive $0xFFFF  }
0x184: {  	p0 =	sne.s32 s0, $0x0;
	_ =	strace $0x90000047  }
0x185: {  	s0 =	sadd.s32 @!p0 $0x100000, s1;
	[bflag:$0x2] =	sbarrier.arrive $0xFFFF  }
0x186: {  	[sflag:s0] =	ssyncadd.tile.s32 @!p0 $0x1;
	_ =	shalt  }
.Lfunc_end2:
_tile_overlayer_lowered:
.L_overlay_start_2:
0x187: {  	(tag) =	ssettag $0x2  }
0x188: {  	s0 =	rddreg [dreg:$0x0];
	s2 =	stileid.u32  }
0x189: {  	s1 =	rddreg [dreg:$0x1];
	p0 =	sne.s32 s2, $0x0  }
0x18a: {  	s3 =	rddreg [dreg:$0x2];
	[bflag:$0x3] =	sbarrier.arrive $0xFFFF;
	s2 =	simm.s32 @!p0 $0x1C03  }
0x18b: {  	[timem:s3], [sflag:s2] =	dma.local @!p0 [hbm:s0], s1  }
0x18c: {  	s0 =	simm.s32 @!p0 $0x3  }
0x18d: {  	_ =	swait.ge @!p0 [sflag:s0], s1  }
0x18e: {  	s1 =	ssub.s32 @!p0 $0x0, s1;
	[sflag:s0] =	ssyncset.done @!p0 $0x0  }
0x18f: {  	[sflag:s0] =	ssyncadd.s32 @!p0 s1  }
0x190: {  	[bflag:$0x3] =	sbarrier.arrive $0xFFFF  }
0x191: {  	_ =	shalt  }

</sc_bundles>
